<compile_context>
chip_gen: v7x
topology: tpu7x:2x2x1
jax: 0.10.2.dev20260603
libtpu: 0.0.44.dev20260713+nightly
codegen_flags: <defaults>
</compile_context>

<pallas_src>
import functools

import jax
import jax.numpy as jnp
from jax import lax
from jax.experimental import pallas as pl
from jax.experimental.pallas import tpu as pltpu
from jax.experimental.pallas import tpu_sc as plsc

B = 800000
D = 36
DP = 40
NC = 2
NS = 16
NW = NC * NS
G = 128
NG = B // G
GPW = 196
NBUF = 14
NGRP = GPW // NBUF


def _body(idx_hbm, tbl_hbm, out_hbm, idx_v, rows_v, sem_g, sem_s):
    wid = lax.axis_index("s") * NC + lax.axis_index("c")
    g0 = jnp.minimum((wid * NG) // NW, NG - GPW)
    pltpu.sync_copy(idx_hbm.at[pl.ds(g0, GPW)], idx_v)

    def group(j, c):
        jb = j * NBUF
        gathers = []
        for b in range(NBUF):
            gathers.append(
                pltpu.async_copy(
                    tbl_hbm.at[idx_v.at[jb + b]], rows_v.at[b], sem_g
                )
            )
        for b in range(NBUF):
            gathers[b].wait()
        stores = []
        for b in range(NBUF):
            stores.append(
                pltpu.async_copy(
                    rows_v.at[b],
                    out_hbm.at[pl.ds((g0 + jb + b) * G, G)],
                    sem_s,
                )
            )
        for b in range(NBUF):
            stores[b].wait()
        return c

    lax.fori_loop(0, NGRP, group, 0)


_mesh = plsc.VectorSubcoreMesh(core_axis_name="c", subcore_axis_name="s")

_gather = functools.partial(
    pl.kernel,
    mesh=_mesh,
    out_type=jax.ShapeDtypeStruct((B, DP), jnp.float32),
    scratch_types=[
        pltpu.VMEM((GPW, G), jnp.int32),
        pltpu.VMEM((NBUF, G, DP), jnp.float32),
        pltpu.SemaphoreType.DMA,
        pltpu.SemaphoreType.DMA,
    ],
    compiler_params=pltpu.CompilerParams(use_tc_tiling_on_sc=False),
)(_body)


def kernel(atomic_numbers, gate_weight):
    tbl = jnp.pad(gate_weight, ((0, 0), (0, DP - D)))
    out = _gather(atomic_numbers.reshape(NG, G), tbl)
    return out[:, :D]

# --- scband reference (transcript-rebuilt; emitter-appended) ---
"""Pipeline reference for scband-elemental-gate2-p-20633022890828 (READ-ONLY COPY).

The authoritative reference and input builder live on the scoring server;
editing this copy changes nothing except your own understanding.
"""

import jax, jax.numpy as jnp
import numpy as np

# Module config (from init_kwargs)
ELEMENTS = [1, 6, 7, 8, 9, 15, 16, 17]
PAIRS = [19, 24, 25, 26, 27, 33, 34, 35, 114, 115, 116, 117, 123, 124, 125, 133, 134, 135, 141, 142, 143, 152, 153, 159, 160, 161, 171, 177, 178, 179, 285, 286, 287, 304, 305, 323]
NPAIRS = len(ELEMENTS) * (len(ELEMENTS) + 1) // 2  # 36
MAXPAIR = max(PAIRS) + 1  # 324
N_INDICES = 800000


def setup_inputs(seed: int = 0) -> dict:
    key = jax.random.key(seed)
    k1, _ = jax.random.split(key)
    atomic_numbers = jax.random.randint(k1, (N_INDICES,), 0, MAXPAIR, dtype=jnp.int32)
    # One-hot gate weights exactly as the torch __init__ builds them (onehot=True)
    w = np.zeros((MAXPAIR, NPAIRS), dtype=np.float32)
    for idx, Z in enumerate(PAIRS):
        w[Z, idx] = 1.0
    gate_weight = jnp.asarray(w)
    return {"atomic_numbers": atomic_numbers, "gate_weight": gate_weight}


def reference(atomic_numbers, gate_weight):
    # nn.Embedding lookup: gate(atomic_numbers) -> gate_weight[atomic_numbers]
    return jnp.take(gate_weight, atomic_numbers, axis=0)

if __name__ == "__main__":
    import jax
    _d = setup_inputs()
    print(jax.jit(kernel)(*tuple(_d.values())))

</pallas_src>

<mosaic_0001>
#map = affine_map<(d0, d1) -> (0, 0)>
module attributes {stable_mosaic.version = 14 : i64} {
  func.func @_body(%arg0: i32, %arg1: i32, %arg2: memref<6250x128xi32, #tpu.memory_space<hbm>>, %arg3: memref<324x40xf32, #tpu.memory_space<hbm>>, %arg4: memref<800000x40xf32, #tpu.memory_space<hbm>>, %arg5: memref<196x128xi32, #tpu.memory_space<vmem>>, %arg6: memref<14x128x40xf32, #tpu.memory_space<vmem>>, %arg7: memref<!tpu.dma_semaphore, #tpu.memory_space<semaphore_mem>>, %arg8: memref<!tpu.dma_semaphore, #tpu.memory_space<semaphore_mem>>) attributes {dimension_semantics = [#tpu.dimension_semantics<core_parallel>, #tpu.dimension_semantics<subcore_parallel>], iteration_bounds = array<i64: 2, 16>, scalar_prefetch = 0 : i64, scratch_operands = 4 : i64, tpu.core_type = #tpu.core_type<sc_vector_subcore>, window_params = [{transform_indices = #map}, {transform_indices = #map}, {transform_indices = #map}]} {
    %mul3A = arith.constant 2 : i32
    %mul3A_0 = arith.muli %arg1, %mul3A : i32
    %add3A = arith.addi %mul3A_0, %arg0 : i32
    %mul3A_1 = arith.constant 6250 : i32
    %mul3A_2 = arith.muli %add3A, %mul3A_1 : i32
    %jit3A = arith.constant 32 : i32
    %div3A = arith.divsi %mul3A_2, %jit3A : i32
    %sign3A = arith.constant 0 : i32
    %sign3A_3 = arith.cmpi sgt, %mul3A_2, %sign3A : i32
    %sign3A_4 = arith.extui %sign3A_3 : i1 to i32
    %sign3A_5 = arith.constant 0 : i32
    %sign3A_6 = arith.cmpi slt, %mul3A_2, %sign3A_5 : i32
    %sign3A_7 = arith.extui %sign3A_6 : i1 to i32
    %sign3A_8 = arith.subi %sign3A_4, %sign3A_7 : i32
    %sign3A_9 = arith.constant 0 : i32
    %sign3A_10 = arith.cmpi sgt, %jit3A, %sign3A_9 : i32
    %sign3A_11 = arith.extui %sign3A_10 : i1 to i32
    %sign3A_12 = arith.constant 0 : i32
    %sign3A_13 = arith.cmpi slt, %jit3A, %sign3A_12 : i32
    %sign3A_14 = arith.extui %sign3A_13 : i1 to i32
    %sign3A_15 = arith.subi %sign3A_11, %sign3A_14 : i32
    %ne3A = arith.cmpi ne, %sign3A_8, %sign3A_15 : i32
    %rem3A = arith.remsi %mul3A_2, %jit3A : i32
    %ne3A_16 = arith.constant 0 : i32
    %ne3A_17 = arith.cmpi ne, %rem3A, %ne3A_16 : i32
    %and3A = arith.andi %ne3A, %ne3A_17 : i1
    %sub3A = arith.constant 1 : i32
    %sub3A_18 = arith.subi %div3A, %sub3A : i32
    %select_n3A = arith.select %and3A, %sub3A_18, %div3A : i32
    %min3A = arith.constant 6054 : i32
    %min3A_19 = arith.minsi %select_n3A, %min3A : i32
    "tpu.region"() ({
      %run_scoped3A = tpu.sem_alloc : memref<!tpu.dma_semaphore, #tpu.memory_space<semaphore_mem>>
      %dma_start3A = arith.constant 0 : i32
      %dma_start3A_25 = tpu.memref_slice %arg2[%min3A_19, %dma_start3A] : memref<6250x128xi32, #tpu.memory_space<hbm>> -> memref<196x128xi32, #tpu.memory_space<hbm>>
      %dma_start3A_26 = arith.constant 0 : i32
      %dma_start3A_27 = tpu.memref_slice %arg2[%min3A_19, %dma_start3A_26] : memref<6250x128xi32, #tpu.memory_space<hbm>> -> memref<196x128xi32, #tpu.memory_space<hbm>>
      tpu.enqueue_dma source(%dma_start3A_27 : memref<196x128xi32, #tpu.memory_space<hbm>>) target(%arg5 : memref<196x128xi32, #tpu.memory_space<vmem>>) target_semaphore(%run_scoped3A : memref<!tpu.dma_semaphore, #tpu.memory_space<semaphore_mem>>)
      %dma_wait3A = arith.constant 0 : i32
      %dma_wait3A_28 = tpu.memref_slice %arg2[%min3A_19, %dma_wait3A] : memref<6250x128xi32, #tpu.memory_space<hbm>> -> memref<196x128xi32, #tpu.memory_space<hbm>>
      %dma_wait3A_29 = arith.constant 0 : i32
      %dma_wait3A_30 = tpu.memref_slice %arg2[%min3A_19, %dma_wait3A_29] : memref<6250x128xi32, #tpu.memory_space<hbm>> -> memref<196x128xi32, #tpu.memory_space<hbm>>
      tpu.wait_dma2 semaphore(%run_scoped3A : memref<!tpu.dma_semaphore, #tpu.memory_space<semaphore_mem>>) src(%dma_wait3A_30 : memref<196x128xi32, #tpu.memory_space<hbm>>) dst(%arg5 : memref<196x128xi32, #tpu.memory_space<vmem>>)
      tpu.yield
    }) : () -> ()
    %scan3A = arith.constant 0 : i32
    %scan3A_20 = arith.constant 0 : i32
    %scan3A_21 = arith.constant 14 : i32
    %scan3A_22 = arith.addi %scan3A_20, %scan3A_21 : i32
    %scan3A_23 = arith.constant 1 : i32
    scf.for %scan3A_25 = %scan3A_20 to %scan3A_22 step %scan3A_23  : i32 {
      %mul3A_26 = arith.constant 14 : i32
      %mul3A_27 = arith.muli %scan3A_25, %mul3A_26 : i32
      %add3A_28 = arith.constant 0 : i32
      %add3A_29 = arith.addi %mul3A_27, %add3A_28 : i32
      %dma_start3A = arith.constant 0 : i32
      %dma_start3A_30 = arith.constant 0 : i32
      %dma_start3A_31 = arith.constant 0 : i32
      %dma_start3A_32 = tpu.memref_slice %arg6[%dma_start3A, %dma_start3A_30, %dma_start3A_31] : memref<14x128x40xf32, #tpu.memory_space<vmem>> -> memref<1x128x40xf32, #tpu.memory_space<vmem>>
      %dma_start3A_33 = tpu.memref_squeeze %dma_start3A_32 : memref<1x128x40xf32, #tpu.memory_space<vmem>> -> memref<128x40xf32, #tpu.memory_space<vmem>>
      %dma_start3A_34 = arith.constant 0 : i32
      %dma_start3A_35 = tpu.memref_slice %arg5[%add3A_29, %dma_start3A_34] : memref<196x128xi32, #tpu.memory_space<vmem>> -> memref<1x128xi32, #tpu.memory_space<vmem>>
      %dma_start3A_36 = tpu.memref_squeeze %dma_start3A_35 : memref<1x128xi32, #tpu.memory_space<vmem>> -> memref<128xi32, #tpu.memory_space<vmem>>
      %dma_start3A_37 = arith.constant 0 : i32
      %dma_start3A_38 = arith.constant 0 : i32
      %dma_start3A_39 = tpu.memref_slice %arg3[%dma_start3A_37, %dma_start3A_38] : memref<324x40xf32, #tpu.memory_space<hbm>> -> memref<324x40xf32, #tpu.memory_space<hbm>>
      tpu.enqueue_indirect_dma source(%dma_start3A_39 : memref<324x40xf32, #tpu.memory_space<hbm>>) target(%dma_start3A_33 : memref<128x40xf32, #tpu.memory_space<vmem>>) offsets(%dma_start3A_36 : memref<128xi32, #tpu.memory_space<vmem>>) semaphore(%arg7 : memref<!tpu.dma_semaphore, #tpu.memory_space<semaphore_mem>>)
      %add3A_40 = arith.constant 1 : i32
      %add3A_41 = arith.addi %mul3A_27, %add3A_40 : i32
      %dma_start3A_42 = arith.constant 1 : i32
      %dma_start3A_43 = arith.constant 0 : i32
      %dma_start3A_44 = arith.constant 0 : i32
      %dma_start3A_45 = tpu.memref_slice %arg6[%dma_start3A_42, %dma_start3A_43, %dma_start3A_44] : memref<14x128x40xf32, #tpu.memory_space<vmem>> -> memref<1x128x40xf32, #tpu.memory_space<vmem>>
      %dma_start3A_46 = tpu.memref_squeeze %dma_start3A_45 : memref<1x128x40xf32, #tpu.memory_space<vmem>> -> memref<128x40xf32, #tpu.memory_space<vmem>>
      %dma_start3A_47 = arith.constant 0 : i32
      %dma_start3A_48 = tpu.memref_slice %arg5[%add3A_41, %dma_start3A_47] : memref<196x128xi32, #tpu.memory_space<vmem>> -> memref<1x128xi32, #tpu.memory_space<vmem>>
      %dma_start3A_49 = tpu.memref_squeeze %dma_start3A_48 : memref<1x128xi32, #tpu.memory_space<vmem>> -> memref<128xi32, #tpu.memory_space<vmem>>
      %dma_start3A_50 = arith.constant 0 : i32
      %dma_start3A_51 = arith.constant 0 : i32
      %dma_start3A_52 = tpu.memref_slice %arg3[%dma_start3A_50, %dma_start3A_51] : memref<324x40xf32, #tpu.memory_space<hbm>> -> memref<324x40xf32, #tpu.memory_space<hbm>>
      tpu.enqueue_indirect_dma source(%dma_start3A_52 : memref<324x40xf32, #tpu.memory_space<hbm>>) target(%dma_start3A_46 : memref<128x40xf32, #tpu.memory_space<vmem>>) offsets(%dma_start3A_49 : memref<128xi32, #tpu.memory_space<vmem>>) semaphore(%arg7 : memref<!tpu.dma_semaphore, #tpu.memory_space<semaphore_mem>>)
      %add3A_53 = arith.constant 2 : i32
      %add3A_54 = arith.addi %mul3A_27, %add3A_53 : i32
      %dma_start3A_55 = arith.constant 2 : i32
      %dma_start3A_56 = arith.constant 0 : i32
      %dma_start3A_57 = arith.constant 0 : i32
      %dma_start3A_58 = tpu.memref_slice %arg6[%dma_start3A_55, %dma_start3A_56, %dma_start3A_57] : memref<14x128x40xf32, #tpu.memory_space<vmem>> -> memref<1x128x40xf32, #tpu.memory_space<vmem>>
      %dma_start3A_59 = tpu.memref_squeeze %dma_start3A_58 : memref<1x128x40xf32, #tpu.memory_space<vmem>> -> memref<128x40xf32, #tpu.memory_space<vmem>>
      %dma_start3A_60 = arith.constant 0 : i32
      %dma_start3A_61 = tpu.memref_slice %arg5[%add3A_54, %dma_start3A_60] : memref<196x128xi32, #tpu.memory_space<vmem>> -> memref<1x128xi32, #tpu.memory_space<vmem>>
      %dma_start3A_62 = tpu.memref_squeeze %dma_start3A_61 : memref<1x128xi32, #tpu.memory_space<vmem>> -> memref<128xi32, #tpu.memory_space<vmem>>
      %dma_start3A_63 = arith.constant 0 : i32
      %dma_start3A_64 = arith.constant 0 : i32
      %dma_start3A_65 = tpu.memref_slice %arg3[%dma_start3A_63, %dma_start3A_64] : memref<324x40xf32, #tpu.memory_space<hbm>> -> memref<324x40xf32, #tpu.memory_space<hbm>>
      tpu.enqueue_indirect_dma source(%dma_start3A_65 : memref<324x40xf32, #tpu.memory_space<hbm>>) target(%dma_start3A_59 : memref<128x40xf32, #tpu.memory_space<vmem>>) offsets(%dma_start3A_62 : memref<128xi32, #tpu.memory_space<vmem>>) semaphore(%arg7 : memref<!tpu.dma_semaphore, #tpu.memory_space<semaphore_mem>>)
      %add3A_66 = arith.constant 3 : i32
      %add3A_67 = arith.addi %mul3A_27, %add3A_66 : i32
      %dma_start3A_68 = arith.constant 3 : i32
      %dma_start3A_69 = arith.constant 0 : i32
      %dma_start3A_70 = arith.constant 0 : i32
      %dma_start3A_71 = tpu.memref_slice %arg6[%dma_start3A_68, %dma_start3A_69, %dma_start3A_70] : memref<14x128x40xf32, #tpu.memory_space<vmem>> -> memref<1x128x40xf32, #tpu.memory_space<vmem>>
      %dma_start3A_72 = tpu.memref_squeeze %dma_start3A_71 : memref<1x128x40xf32, #tpu.memory_space<vmem>> -> memref<128x40xf32, #tpu.memory_space<vmem>>
      %dma_start3A_73 = arith.constant 0 : i32
      %dma_start3A_74 = tpu.memref_slice %arg5[%add3A_67, %dma_start3A_73] : memref<196x128xi32, #tpu.memory_space<vmem>> -> memref<1x128xi32, #tpu.memory_space<vmem>>
      %dma_start3A_75 = tpu.memref_squeeze %dma_start3A_74 : memref<1x128xi32, #tpu.memory_space<vmem>> -> memref<128xi32, #tpu.memory_space<vmem>>
      %dma_start3A_76 = arith.constant 0 : i32
      %dma_start3A_77 = arith.constant 0 : i32
      %dma_start3A_78 = tpu.memref_slice %arg3[%dma_start3A_76, %dma_start3A_77] : memref<324x40xf32, #tpu.memory_space<hbm>> -> memref<324x40xf32, #tpu.memory_space<hbm>>
      tpu.enqueue_indirect_dma source(%dma_start3A_78 : memref<324x40xf32, #tpu.memory_space<hbm>>) target(%dma_start3A_72 : memref<128x40xf32, #tpu.memory_space<vmem>>) offsets(%dma_start3A_75 : memref<128xi32, #tpu.memory_space<vmem>>) semaphore(%arg7 : memref<!tpu.dma_semaphore, #tpu.memory_space<semaphore_mem>>)
      %add3A_79 = arith.constant 4 : i32
      %add3A_80 = arith.addi %mul3A_27, %add3A_79 : i32
      %dma_start3A_81 = arith.constant 4 : i32
      %dma_start3A_82 = arith.constant 0 : i32
      %dma_start3A_83 = arith.constant 0 : i32
      %dma_start3A_84 = tpu.memref_slice %arg6[%dma_start3A_81, %dma_start3A_82, %dma_start3A_83] : memref<14x128x40xf32, #tpu.memory_space<vmem>> -> memref<1x128x40xf32, #tpu.memory_space<vmem>>
      %dma_start3A_85 = tpu.memref_squeeze %dma_start3A_84 : memref<1x128x40xf32, #tpu.memory_space<vmem>> -> memref<128x40xf32, #tpu.memory_space<vmem>>
      %dma_start3A_86 = arith.constant 0 : i32
      %dma_start3A_87 = tpu.memref_slice %arg5[%add3A_80, %dma_start3A_86] : memref<196x128xi32, #tpu.memory_space<vmem>> -> memref<1x128xi32, #tpu.memory_space<vmem>>
      %dma_start3A_88 = tpu.memref_squeeze %dma_start3A_87 : memref<1x128xi32, #tpu.memory_space<vmem>> -> memref<128xi32, #tpu.memory_space<vmem>>
      %dma_start3A_89 = arith.constant 0 : i32
      %dma_start3A_90 = arith.constant 0 : i32
      %dma_start3A_91 = tpu.memref_slice %arg3[%dma_start3A_89, %dma_start3A_90] : memref<324x40xf32, #tpu.memory_space<hbm>> -> memref<324x40xf32, #tpu.memory_space<hbm>>
      tpu.enqueue_indirect_dma source(%dma_start3A_91 : memref<324x40xf32, #tpu.memory_space<hbm>>) target(%dma_start3A_85 : memref<128x40xf32, #tpu.memory_space<vmem>>) offsets(%dma_start3A_88 : memref<128xi32, #tpu.memory_space<vmem>>) semaphore(%arg7 : memref<!tpu.dma_semaphore, #tpu.memory_space<semaphore_mem>>)
      %add3A_92 = arith.constant 5 : i32
      %add3A_93 = arith.addi %mul3A_27, %add3A_92 : i32
      %dma_start3A_94 = arith.constant 5 : i32
      %dma_start3A_95 = arith.constant 0 : i32
      %dma_start3A_96 = arith.constant 0 : i32
      %dma_start3A_97 = tpu.memref_slice %arg6[%dma_start3A_94, %dma_start3A_95, %dma_start3A_96] : memref<14x128x40xf32, #tpu.memory_space<vmem>> -> memref<1x128x40xf32, #tpu.memory_space<vmem>>
      %dma_start3A_98 = tpu.memref_squeeze %dma_start3A_97 : memref<1x128x40xf32, #tpu.memory_space<vmem>> -> memref<128x40xf32, #tpu.memory_space<vmem>>
      %dma_start3A_99 = arith.constant 0 : i32
      %dma_start3A_100 = tpu.memref_slice %arg5[%add3A_93, %dma_start3A_99] : memref<196x128xi32, #tpu.memory_space<vmem>> -> memref<1x128xi32, #tpu.memory_space<vmem>>
      %dma_start3A_101 = tpu.memref_squeeze %dma_start3A_100 : memref<1x128xi32, #tpu.memory_space<vmem>> -> memref<128xi32, #tpu.memory_space<vmem>>
      %dma_start3A_102 = arith.constant 0 : i32
      %dma_start3A_103 = arith.constant 0 : i32
      %dma_start3A_104 = tpu.memref_slice %arg3[%dma_start3A_102, %dma_start3A_103] : memref<324x40xf32, #tpu.memory_space<hbm>> -> memref<324x40xf32, #tpu.memory_space<hbm>>
      tpu.enqueue_indirect_dma source(%dma_start3A_104 : memref<324x40xf32, #tpu.memory_space<hbm>>) target(%dma_start3A_98 : memref<128x40xf32, #tpu.memory_space<vmem>>) offsets(%dma_start3A_101 : memref<128xi32, #tpu.memory_space<vmem>>) semaphore(%arg7 : memref<!tpu.dma_semaphore, #tpu.memory_space<semaphore_mem>>)
      %add3A_105 = arith.constant 6 : i32
      %add3A_106 = arith.addi %mul3A_27, %add3A_105 : i32
      %dma_start3A_107 = arith.constant 6 : i32
      %dma_start3A_108 = arith.constant 0 : i32
      %dma_start3A_109 = arith.constant 0 : i32
      %dma_start3A_110 = tpu.memref_slice %arg6[%dma_start3A_107, %dma_start3A_108, %dma_start3A_109] : memref<14x128x40xf32, #tpu.memory_space<vmem>> -> memref<1x128x40xf32, #tpu.memory_space<vmem>>
      %dma_start3A_111 = tpu.memref_squeeze %dma_start3A_110 : memref<1x128x40xf32, #tpu.memory_space<vmem>> -> memref<128x40xf32, #tpu.memory_space<vmem>>
      %dma_start3A_112 = arith.constant 0 : i32
      %dma_start3A_113 = tpu.memref_slice %arg5[%add3A_106, %dma_start3A_112] : memref<196x128xi32, #tpu.memory_space<vmem>> -> memref<1x128xi32, #tpu.memory_space<vmem>>
      %dma_start3A_114 = tpu.memref_squeeze %dma_start3A_113 : memref<1x128xi32, #tpu.memory_space<vmem>> -> memref<128xi32, #tpu.memory_space<vmem>>
      %dma_start3A_115 = arith.constant 0 : i32
      %dma_start3A_116 = arith.constant 0 : i32
      %dma_start3A_117 = tpu.memref_slice %arg3[%dma_start3A_115, %dma_start3A_116] : memref<324x40xf32, #tpu.memory_space<hbm>> -> memref<324x40xf32, #tpu.memory_space<hbm>>
      tpu.enqueue_indirect_dma source(%dma_start3A_117 : memref<324x40xf32, #tpu.memory_space<hbm>>) target(%dma_start3A_111 : memref<128x40xf32, #tpu.memory_space<vmem>>) offsets(%dma_start3A_114 : memref<128xi32, #tpu.memory_space<vmem>>) semaphore(%arg7 : memref<!tpu.dma_semaphore, #tpu.memory_space<semaphore_mem>>)
      %add3A_118 = arith.constant 7 : i32
      %add3A_119 = arith.addi %mul3A_27, %add3A_118 : i32
      %dma_start3A_120 = arith.constant 7 : i32
      %dma_start3A_121 = arith.constant 0 : i32
      %dma_start3A_122 = arith.constant 0 : i32
      %dma_start3A_123 = tpu.memref_slice %arg6[%dma_start3A_120, %dma_start3A_121, %dma_start3A_122] : memref<14x128x40xf32, #tpu.memory_space<vmem>> -> memref<1x128x40xf32, #tpu.memory_space<vmem>>
      %dma_start3A_124 = tpu.memref_squeeze %dma_start3A_123 : memref<1x128x40xf32, #tpu.memory_space<vmem>> -> memref<128x40xf32, #tpu.memory_space<vmem>>
      %dma_start3A_125 = arith.constant 0 : i32
      %dma_start3A_126 = tpu.memref_slice %arg5[%add3A_119, %dma_start3A_125] : memref<196x128xi32, #tpu.memory_space<vmem>> -> memref<1x128xi32, #tpu.memory_space<vmem>>
      %dma_start3A_127 = tpu.memref_squeeze %dma_start3A_126 : memref<1x128xi32, #tpu.memory_space<vmem>> -> memref<128xi32, #tpu.memory_space<vmem>>
      %dma_start3A_128 = arith.constant 0 : i32
      %dma_start3A_129 = arith.constant 0 : i32
      %dma_start3A_130 = tpu.memref_slice %arg3[%dma_start3A_128, %dma_start3A_129] : memref<324x40xf32, #tpu.memory_space<hbm>> -> memref<324x40xf32, #tpu.memory_space<hbm>>
      tpu.enqueue_indirect_dma source(%dma_start3A_130 : memref<324x40xf32, #tpu.memory_space<hbm>>) target(%dma_start3A_124 : memref<128x40xf32, #tpu.memory_space<vmem>>) offsets(%dma_start3A_127 : memref<128xi32, #tpu.memory_space<vmem>>) semaphore(%arg7 : memref<!tpu.dma_semaphore, #tpu.memory_space<semaphore_mem>>)
      %add3A_131 = arith.constant 8 : i32
      %add3A_132 = arith.addi %mul3A_27, %add3A_131 : i32
      %dma_start3A_133 = arith.constant 8 : i32
      %dma_start3A_134 = arith.constant 0 : i32
      %dma_start3A_135 = arith.constant 0 : i32
      %dma_start3A_136 = tpu.memref_slice %arg6[%dma_start3A_133, %dma_start3A_134, %dma_start3A_135] : memref<14x128x40xf32, #tpu.memory_space<vmem>> -> memref<1x128x40xf32, #tpu.memory_space<vmem>>
      %dma_start3A_137 = tpu.memref_squeeze %dma_start3A_136 : memref<1x128x40xf32, #tpu.memory_space<vmem>> -> memref<128x40xf32, #tpu.memory_space<vmem>>
      %dma_start3A_138 = arith.constant 0 : i32
      %dma_start3A_139 = tpu.memref_slice %arg5[%add3A_132, %dma_start3A_138] : memref<196x128xi32, #tpu.memory_space<vmem>> -> memref<1x128xi32, #tpu.memory_space<vmem>>
      %dma_start3A_140 = tpu.memref_squeeze %dma_start3A_139 : memref<1x128xi32, #tpu.memory_space<vmem>> -> memref<128xi32, #tpu.memory_space<vmem>>
      %dma_start3A_141 = arith.constant 0 : i32
      %dma_start3A_142 = arith.constant 0 : i32
      %dma_start3A_143 = tpu.memref_slice %arg3[%dma_start3A_141, %dma_start3A_142] : memref<324x40xf32, #tpu.memory_space<hbm>> -> memref<324x40xf32, #tpu.memory_space<hbm>>
      tpu.enqueue_indirect_dma source(%dma_start3A_143 : memref<324x40xf32, #tpu.memory_space<hbm>>) target(%dma_start3A_137 : memref<128x40xf32, #tpu.memory_space<vmem>>) offsets(%dma_start3A_140 : memref<128xi32, #tpu.memory_space<vmem>>) semaphore(%arg7 : memref<!tpu.dma_semaphore, #tpu.memory_space<semaphore_mem>>)
      %add3A_144 = arith.constant 9 : i32
      %add3A_145 = arith.addi %mul3A_27, %add3A_144 : i32
      %dma_start3A_146 = arith.constant 9 : i32
      %dma_start3A_147 = arith.constant 0 : i32
      %dma_start3A_148 = arith.constant 0 : i32
      %dma_start3A_149 = tpu.memref_slice %arg6[%dma_start3A_146, %dma_start3A_147, %dma_start3A_148] : memref<14x128x40xf32, #tpu.memory_space<vmem>> -> memref<1x128x40xf32, #tpu.memory_space<vmem>>
      %dma_start3A_150 = tpu.memref_squeeze %dma_start3A_149 : memref<1x128x40xf32, #tpu.memory_space<vmem>> -> memref<128x40xf32, #tpu.memory_space<vmem>>
      %dma_start3A_151 = arith.constant 0 : i32
      %dma_start3A_152 = tpu.memref_slice %arg5[%add3A_145, %dma_start3A_151] : memref<196x128xi32, #tpu.memory_space<vmem>> -> memref<1x128xi32, #tpu.memory_space<vmem>>
      %dma_start3A_153 = tpu.memref_squeeze %dma_start3A_152 : memref<1x128xi32, #tpu.memory_space<vmem>> -> memref<128xi32, #tpu.memory_space<vmem>>
      %dma_start3A_154 = arith.constant 0 : i32
      %dma_start3A_155 = arith.constant 0 : i32
      %dma_start3A_156 = tpu.memref_slice %arg3[%dma_start3A_154, %dma_start3A_155] : memref<324x40xf32, #tpu.memory_space<hbm>> -> memref<324x40xf32, #tpu.memory_space<hbm>>
      tpu.enqueue_indirect_dma source(%dma_start3A_156 : memref<324x40xf32, #tpu.memory_space<hbm>>) target(%dma_start3A_150 : memref<128x40xf32, #tpu.memory_space<vmem>>) offsets(%dma_start3A_153 : memref<128xi32, #tpu.memory_space<vmem>>) semaphore(%arg7 : memref<!tpu.dma_semaphore, #tpu.memory_space<semaphore_mem>>)
      %add3A_157 = arith.constant 10 : i32
      %add3A_158 = arith.addi %mul3A_27, %add3A_157 : i32
      %dma_start3A_159 = arith.constant 10 : i32
      %dma_start3A_160 = arith.constant 0 : i32
      %dma_start3A_161 = arith.constant 0 : i32
      %dma_start3A_162 = tpu.memref_slice %arg6[%dma_start3A_159, %dma_start3A_160, %dma_start3A_161] : memref<14x128x40xf32, #tpu.memory_space<vmem>> -> memref<1x128x40xf32, #tpu.memory_space<vmem>>
      %dma_start3A_163 = tpu.memref_squeeze %dma_start3A_162 : memref<1x128x40xf32, #tpu.memory_space<vmem>> -> memref<128x40xf32, #tpu.memory_space<vmem>>
      %dma_start3A_164 = arith.constant 0 : i32
      %dma_start3A_165 = tpu.memref_slice %arg5[%add3A_158, %dma_start3A_164] : memref<196x128xi32, #tpu.memory_space<vmem>> -> memref<1x128xi32, #tpu.memory_space<vmem>>
      %dma_start3A_166 = tpu.memref_squeeze %dma_start3A_165 : memref<1x128xi32, #tpu.memory_space<vmem>> -> memref<128xi32, #tpu.memory_space<vmem>>
      %dma_start3A_167 = arith.constant 0 : i32
      %dma_start3A_168 = arith.constant 0 : i32
      %dma_start3A_169 = tpu.memref_slice %arg3[%dma_start3A_167, %dma_start3A_168] : memref<324x40xf32, #tpu.memory_space<hbm>> -> memref<324x40xf32, #tpu.memory_space<hbm>>
      tpu.enqueue_indirect_dma source(%dma_start3A_169 : memref<324x40xf32, #tpu.memory_space<hbm>>) target(%dma_start3A_163 : memref<128x40xf32, #tpu.memory_space<vmem>>) offsets(%dma_start3A_166 : memref<128xi32, #tpu.memory_space<vmem>>) semaphore(%arg7 : memref<!tpu.dma_semaphore, #tpu.memory_space<semaphore_mem>>)
      %add3A_170 = arith.constant 11 : i32
      %add3A_171 = arith.addi %mul3A_27, %add3A_170 : i32
      %dma_start3A_172 = arith.constant 11 : i32
      %dma_start3A_173 = arith.constant 0 : i32
      %dma_start3A_174 = arith.constant 0 : i32
      %dma_start3A_175 = tpu.memref_slice %arg6[%dma_start3A_172, %dma_start3A_173, %dma_start3A_174] : memref<14x128x40xf32, #tpu.memory_space<vmem>> -> memref<1x128x40xf32, #tpu.memory_space<vmem>>
      %dma_start3A_176 = tpu.memref_squeeze %dma_start3A_175 : memref<1x128x40xf32, #tpu.memory_space<vmem>> -> memref<128x40xf32, #tpu.memory_space<vmem>>
      %dma_start3A_177 = arith.constant 0 : i32
      %dma_start3A_178 = tpu.memref_slice %arg5[%add3A_171, %dma_start3A_177] : memref<196x128xi32, #tpu.memory_space<vmem>> -> memref<1x128xi32, #tpu.memory_space<vmem>>
      %dma_start3A_179 = tpu.memref_squeeze %dma_start3A_178 : memref<1x128xi32, #tpu.memory_space<vmem>> -> memref<128xi32, #tpu.memory_space<vmem>>
      %dma_start3A_180 = arith.constant 0 : i32
      %dma_start3A_181 = arith.constant 0 : i32
      %dma_start3A_182 = tpu.memref_slice %arg3[%dma_start3A_180, %dma_start3A_181] : memref<324x40xf32, #tpu.memory_space<hbm>> -> memref<324x40xf32, #tpu.memory_space<hbm>>
      tpu.enqueue_indirect_dma source(%dma_start3A_182 : memref<324x40xf32, #tpu.memory_space<hbm>>) target(%dma_start3A_176 : memref<128x40xf32, #tpu.memory_space<vmem>>) offsets(%dma_start3A_179 : memref<128xi32, #tpu.memory_space<vmem>>) semaphore(%arg7 : memref<!tpu.dma_semaphore, #tpu.memory_space<semaphore_mem>>)
      %add3A_183 = arith.constant 12 : i32
      %add3A_184 = arith.addi %mul3A_27, %add3A_183 : i32
      %dma_start3A_185 = arith.constant 12 : i32
      %dma_start3A_186 = arith.constant 0 : i32
      %dma_start3A_187 = arith.constant 0 : i32
      %dma_start3A_188 = tpu.memref_slice %arg6[%dma_start3A_185, %dma_start3A_186, %dma_start3A_187] : memref<14x128x40xf32, #tpu.memory_space<vmem>> -> memref<1x128x40xf32, #tpu.memory_space<vmem>>
      %dma_start3A_189 = tpu.memref_squeeze %dma_start3A_188 : memref<1x128x40xf32, #tpu.memory_space<vmem>> -> memref<128x40xf32, #tpu.memory_space<vmem>>
      %dma_start3A_190 = arith.constant 0 : i32
      %dma_start3A_191 = tpu.memref_slice %arg5[%add3A_184, %dma_start3A_190] : memref<196x128xi32, #tpu.memory_space<vmem>> -> memref<1x128xi32, #tpu.memory_space<vmem>>
      %dma_start3A_192 = tpu.memref_squeeze %dma_start3A_191 : memref<1x128xi32, #tpu.memory_space<vmem>> -> memref<128xi32, #tpu.memory_space<vmem>>
      %dma_start3A_193 = arith.constant 0 : i32
      %dma_start3A_194 = arith.constant 0 : i32
      %dma_start3A_195 = tpu.memref_slice %arg3[%dma_start3A_193, %dma_start3A_194] : memref<324x40xf32, #tpu.memory_space<hbm>> -> memref<324x40xf32, #tpu.memory_space<hbm>>
      tpu.enqueue_indirect_dma source(%dma_start3A_195 : memref<324x40xf32, #tpu.memory_space<hbm>>) target(%dma_start3A_189 : memref<128x40xf32, #tpu.memory_space<vmem>>) offsets(%dma_start3A_192 : memref<128xi32, #tpu.memory_space<vmem>>) semaphore(%arg7 : memref<!tpu.dma_semaphore, #tpu.memory_space<semaphore_mem>>)
      %add3A_196 = arith.constant 13 : i32
      %add3A_197 = arith.addi %mul3A_27, %add3A_196 : i32
      %dma_start3A_198 = arith.constant 13 : i32
      %dma_start3A_199 = arith.constant 0 : i32
      %dma_start3A_200 = arith.constant 0 : i32
      %dma_start3A_201 = tpu.memref_slice %arg6[%dma_start3A_198, %dma_start3A_199, %dma_start3A_200] : memref<14x128x40xf32, #tpu.memory_space<vmem>> -> memref<1x128x40xf32, #tpu.memory_space<vmem>>
      %dma_start3A_202 = tpu.memref_squeeze %dma_start3A_201 : memref<1x128x40xf32, #tpu.memory_space<vmem>> -> memref<128x40xf32, #tpu.memory_space<vmem>>
      %dma_start3A_203 = arith.constant 0 : i32
      %dma_start3A_204 = tpu.memref_slice %arg5[%add3A_197, %dma_start3A_203] : memref<196x128xi32, #tpu.memory_space<vmem>> -> memref<1x128xi32, #tpu.memory_space<vmem>>
      %dma_start3A_205 = tpu.memref_squeeze %dma_start3A_204 : memref<1x128xi32, #tpu.memory_space<vmem>> -> memref<128xi32, #tpu.memory_space<vmem>>
      %dma_start3A_206 = arith.constant 0 : i32
      %dma_start3A_207 = arith.constant 0 : i32
      %dma_start3A_208 = tpu.memref_slice %arg3[%dma_start3A_206, %dma_start3A_207] : memref<324x40xf32, #tpu.memory_space<hbm>> -> memref<324x40xf32, #tpu.memory_space<hbm>>
      tpu.enqueue_indirect_dma source(%dma_start3A_208 : memref<324x40xf32, #tpu.memory_space<hbm>>) target(%dma_start3A_202 : memref<128x40xf32, #tpu.memory_space<vmem>>) offsets(%dma_start3A_205 : memref<128xi32, #tpu.memory_space<vmem>>) semaphore(%arg7 : memref<!tpu.dma_semaphore, #tpu.memory_space<semaphore_mem>>)
      %dma_wait3A = arith.constant 0 : i32
      %dma_wait3A_209 = arith.constant 0 : i32
      %dma_wait3A_210 = arith.constant 0 : i32
      %dma_wait3A_211 = tpu.memref_slice %arg6[%dma_wait3A, %dma_wait3A_209, %dma_wait3A_210] : memref<14x128x40xf32, #tpu.memory_space<vmem>> -> memref<1x128x40xf32, #tpu.memory_space<vmem>>
      %dma_wait3A_212 = tpu.memref_squeeze %dma_wait3A_211 : memref<1x128x40xf32, #tpu.memory_space<vmem>> -> memref<128x40xf32, #tpu.memory_space<vmem>>
      %dma_wait3A_213 = arith.constant 0 : i32
      %dma_wait3A_214 = tpu.memref_slice %arg5[%add3A_29, %dma_wait3A_213] : memref<196x128xi32, #tpu.memory_space<vmem>> -> memref<1x128xi32, #tpu.memory_space<vmem>>
      %dma_wait3A_215 = tpu.memref_squeeze %dma_wait3A_214 : memref<1x128xi32, #tpu.memory_space<vmem>> -> memref<128xi32, #tpu.memory_space<vmem>>
      %dma_wait3A_216 = arith.constant 0 : i32
      %dma_wait3A_217 = arith.constant 0 : i32
      %dma_wait3A_218 = tpu.memref_slice %arg3[%dma_wait3A_216, %dma_wait3A_217] : memref<324x40xf32, #tpu.memory_space<hbm>> -> memref<324x40xf32, #tpu.memory_space<hbm>>
      tpu.wait_indirect_dma semaphore(%arg7 : memref<!tpu.dma_semaphore, #tpu.memory_space<semaphore_mem>>) src(%dma_wait3A_218 : memref<324x40xf32, #tpu.memory_space<hbm>>) dst(%dma_wait3A_212 : memref<128x40xf32, #tpu.memory_space<vmem>>)
      %dma_wait3A_219 = arith.constant 1 : i32
      %dma_wait3A_220 = arith.constant 0 : i32
      %dma_wait3A_221 = arith.constant 0 : i32
      %dma_wait3A_222 = tpu.memref_slice %arg6[%dma_wait3A_219, %dma_wait3A_220, %dma_wait3A_221] : memref<14x128x40xf32, #tpu.memory_space<vmem>> -> memref<1x128x40xf32, #tpu.memory_space<vmem>>
      %dma_wait3A_223 = tpu.memref_squeeze %dma_wait3A_222 : memref<1x128x40xf32, #tpu.memory_space<vmem>> -> memref<128x40xf32, #tpu.memory_space<vmem>>
      %dma_wait3A_224 = arith.constant 0 : i32
      %dma_wait3A_225 = tpu.memref_slice %arg5[%add3A_41, %dma_wait3A_224] : memref<196x128xi32, #tpu.memory_space<vmem>> -> memref<1x128xi32, #tpu.memory_space<vmem>>
      %dma_wait3A_226 = tpu.memref_squeeze %dma_wait3A_225 : memref<1x128xi32, #tpu.memory_space<vmem>> -> memref<128xi32, #tpu.memory_space<vmem>>
      %dma_wait3A_227 = arith.constant 0 : i32
      %dma_wait3A_228 = arith.constant 0 : i32
      %dma_wait3A_229 = tpu.memref_slice %arg3[%dma_wait3A_227, %dma_wait3A_228] : memref<324x40xf32, #tpu.memory_space<hbm>> -> memref<324x40xf32, #tpu.memory_space<hbm>>
      tpu.wait_indirect_dma semaphore(%arg7 : memref<!tpu.dma_semaphore, #tpu.memory_space<semaphore_mem>>) src(%dma_wait3A_229 : memref<324x40xf32, #tpu.memory_space<hbm>>) dst(%dma_wait3A_223 : memref<128x40xf32, #tpu.memory_space<vmem>>)
      %dma_wait3A_230 = arith.constant 2 : i32
      %dma_wait3A_231 = arith.constant 0 : i32
      %dma_wait3A_232 = arith.constant 0 : i32
      %dma_wait3A_233 = tpu.memref_slice %arg6[%dma_wait3A_230, %dma_wait3A_231, %dma_wait3A_232] : memref<14x128x40xf32, #tpu.memory_space<vmem>> -> memref<1x128x40xf32, #tpu.memory_space<vmem>>
      %dma_wait3A_234 = tpu.memref_squeeze %dma_wait3A_233 : memref<1x128x40xf32, #tpu.memory_space<vmem>> -> memref<128x40xf32, #tpu.memory_space<vmem>>
      %dma_wait3A_235 = arith.constant 0 : i32
      %dma_wait3A_236 = tpu.memref_slice %arg5[%add3A_54, %dma_wait3A_235] : memref<196x128xi32, #tpu.memory_space<vmem>> -> memref<1x128xi32, #tpu.memory_space<vmem>>
      %dma_wait3A_237 = tpu.memref_squeeze %dma_wait3A_236 : memref<1x128xi32, #tpu.memory_space<vmem>> -> memref<128xi32, #tpu.memory_space<vmem>>
      %dma_wait3A_238 = arith.constant 0 : i32
      %dma_wait3A_239 = arith.constant 0 : i32
      %dma_wait3A_240 = tpu.memref_slice %arg3[%dma_wait3A_238, %dma_wait3A_239] : memref<324x40xf32, #tpu.memory_space<hbm>> -> memref<324x40xf32, #tpu.memory_space<hbm>>
      tpu.wait_indirect_dma semaphore(%arg7 : memref<!tpu.dma_semaphore, #tpu.memory_space<semaphore_mem>>) src(%dma_wait3A_240 : memref<324x40xf32, #tpu.memory_space<hbm>>) dst(%dma_wait3A_234 : memref<128x40xf32, #tpu.memory_space<vmem>>)
      %dma_wait3A_241 = arith.constant 3 : i32
      %dma_wait3A_242 = arith.constant 0 : i32
      %dma_wait3A_243 = arith.constant 0 : i32
      %dma_wait3A_244 = tpu.memref_slice %arg6[%dma_wait3A_241, %dma_wait3A_242, %dma_wait3A_243] : memref<14x128x40xf32, #tpu.memory_space<vmem>> -> memref<1x128x40xf32, #tpu.memory_space<vmem>>
      %dma_wait3A_245 = tpu.memref_squeeze %dma_wait3A_244 : memref<1x128x40xf32, #tpu.memory_space<vmem>> -> memref<128x40xf32, #tpu.memory_space<vmem>>
      %dma_wait3A_246 = arith.constant 0 : i32
      %dma_wait3A_247 = tpu.memref_slice %arg5[%add3A_67, %dma_wait3A_246] : memref<196x128xi32, #tpu.memory_space<vmem>> -> memref<1x128xi32, #tpu.memory_space<vmem>>
      %dma_wait3A_248 = tpu.memref_squeeze %dma_wait3A_247 : memref<1x128xi32, #tpu.memory_space<vmem>> -> memref<128xi32, #tpu.memory_space<vmem>>
      %dma_wait3A_249 = arith.constant 0 : i32
      %dma_wait3A_250 = arith.constant 0 : i32
      %dma_wait3A_251 = tpu.memref_slice %arg3[%dma_wait3A_249, %dma_wait3A_250] : memref<324x40xf32, #tpu.memory_space<hbm>> -> memref<324x40xf32, #tpu.memory_space<hbm>>
      tpu.wait_indirect_dma semaphore(%arg7 : memref<!tpu.dma_semaphore, #tpu.memory_space<semaphore_mem>>) src(%dma_wait3A_251 : memref<324x40xf32, #tpu.memory_space<hbm>>) dst(%dma_wait3A_245 : memref<128x40xf32, #tpu.memory_space<vmem>>)
      %dma_wait3A_252 = arith.constant 4 : i32
      %dma_wait3A_253 = arith.constant 0 : i32
      %dma_wait3A_254 = arith.constant 0 : i32
      %dma_wait3A_255 = tpu.memref_slice %arg6[%dma_wait3A_252, %dma_wait3A_253, %dma_wait3A_254] : memref<14x128x40xf32, #tpu.memory_space<vmem>> -> memref<1x128x40xf32, #tpu.memory_space<vmem>>
      %dma_wait3A_256 = tpu.memref_squeeze %dma_wait3A_255 : memref<1x128x40xf32, #tpu.memory_space<vmem>> -> memref<128x40xf32, #tpu.memory_space<vmem>>
      %dma_wait3A_257 = arith.constant 0 : i32
      %dma_wait3A_258 = tpu.memref_slice %arg5[%add3A_80, %dma_wait3A_257] : memref<196x128xi32, #tpu.memory_space<vmem>> -> memref<1x128xi32, #tpu.memory_space<vmem>>
      %dma_wait3A_259 = tpu.memref_squeeze %dma_wait3A_258 : memref<1x128xi32, #tpu.memory_space<vmem>> -> memref<128xi32, #tpu.memory_space<vmem>>
      %dma_wait3A_260 = arith.constant 0 : i32
      %dma_wait3A_261 = arith.constant 0 : i32
      %dma_wait3A_262 = tpu.memref_slice %arg3[%dma_wait3A_260, %dma_wait3A_261] : memref<324x40xf32, #tpu.memory_space<hbm>> -> memref<324x40xf32, #tpu.memory_space<hbm>>
      tpu.wait_indirect_dma semaphore(%arg7 : memref<!tpu.dma_semaphore, #tpu.memory_space<semaphore_mem>>) src(%dma_wait3A_262 : memref<324x40xf32, #tpu.memory_space<hbm>>) dst(%dma_wait3A_256 : memref<128x40xf32, #tpu.memory_space<vmem>>)
      %dma_wait3A_263 = arith.constant 5 : i32
      %dma_wait3A_264 = arith.constant 0 : i32
      %dma_wait3A_265 = arith.constant 0 : i32
      %dma_wait3A_266 = tpu.memref_slice %arg6[%dma_wait3A_263, %dma_wait3A_264, %dma_wait3A_265] : memref<14x128x40xf32, #tpu.memory_space<vmem>> -> memref<1x128x40xf32, #tpu.memory_space<vmem>>
      %dma_wait3A_267 = tpu.memref_squeeze %dma_wait3A_266 : memref<1x128x40xf32, #tpu.memory_space<vmem>> -> memref<128x40xf32, #tpu.memory_space<vmem>>
      %dma_wait3A_268 = arith.constant 0 : i32
      %dma_wait3A_269 = tpu.memref_slice %arg5[%add3A_93, %dma_wait3A_268] : memref<196x128xi32, #tpu.memory_space<vmem>> -> memref<1x128xi32, #tpu.memory_space<vmem>>
      %dma_wait3A_270 = tpu.memref_squeeze %dma_wait3A_269 : memref<1x128xi32, #tpu.memory_space<vmem>> -> memref<128xi32, #tpu.memory_space<vmem>>
      %dma_wait3A_271 = arith.constant 0 : i32
      %dma_wait3A_272 = arith.constant 0 : i32
      %dma_wait3A_273 = tpu.memref_slice %arg3[%dma_wait3A_271, %dma_wait3A_272] : memref<324x40xf32, #tpu.memory_space<hbm>> -> memref<324x40xf32, #tpu.memory_space<hbm>>
      tpu.wait_indirect_dma semaphore(%arg7 : memref<!tpu.dma_semaphore, #tpu.memory_space<semaphore_mem>>) src(%dma_wait3A_273 : memref<324x40xf32, #tpu.memory_space<hbm>>) dst(%dma_wait3A_267 : memref<128x40xf32, #tpu.memory_space<vmem>>)
      %dma_wait3A_274 = arith.constant 6 : i32
      %dma_wait3A_275 = arith.constant 0 : i32
      %dma_wait3A_276 = arith.constant 0 : i32
      %dma_wait3A_277 = tpu.memref_slice %arg6[%dma_wait3A_274, %dma_wait3A_275, %dma_wait3A_276] : memref<14x128x40xf32, #tpu.memory_space<vmem>> -> memref<1x128x40xf32, #tpu.memory_space<vmem>>
      %dma_wait3A_278 = tpu.memref_squeeze %dma_wait3A_277 : memref<1x128x40xf32, #tpu.memory_space<vmem>> -> memref<128x40xf32, #tpu.memory_space<vmem>>
      %dma_wait3A_279 = arith.constant 0 : i32
      %dma_wait3A_280 = tpu.memref_slice %arg5[%add3A_106, %dma_wait3A_279] : memref<196x128xi32, #tpu.memory_space<vmem>> -> memref<1x128xi32, #tpu.memory_space<vmem>>
      %dma_wait3A_281 = tpu.memref_squeeze %dma_wait3A_280 : memref<1x128xi32, #tpu.memory_space<vmem>> -> memref<128xi32, #tpu.memory_space<vmem>>
      %dma_wait3A_282 = arith.constant 0 : i32
      %dma_wait3A_283 = arith.constant 0 : i32
      %dma_wait3A_284 = tpu.memref_slice %arg3[%dma_wait3A_282, %dma_wait3A_283] : memref<324x40xf32, #tpu.memory_space<hbm>> -> memref<324x40xf32, #tpu.memory_space<hbm>>
      tpu.wait_indirect_dma semaphore(%arg7 : memref<!tpu.dma_semaphore, #tpu.memory_space<semaphore_mem>>) src(%dma_wait3A_284 : memref<324x40xf32, #tpu.memory_space<hbm>>) dst(%dma_wait3A_278 : memref<128x40xf32, #tpu.memory_space<vmem>>)
      %dma_wait3A_285 = arith.constant 7 : i32
      %dma_wait3A_286 = arith.constant 0 : i32
      %dma_wait3A_287 = arith.constant 0 : i32
      %dma_wait3A_288 = tpu.memref_slice %arg6[%dma_wait3A_285, %dma_wait3A_286, %dma_wait3A_287] : memref<14x128x40xf32, #tpu.memory_space<vmem>> -> memref<1x128x40xf32, #tpu.memory_space<vmem>>
      %dma_wait3A_289 = tpu.memref_squeeze %dma_wait3A_288 : memref<1x128x40xf32, #tpu.memory_space<vmem>> -> memref<128x40xf32, #tpu.memory_space<vmem>>
      %dma_wait3A_290 = arith.constant 0 : i32
      %dma_wait3A_291 = tpu.memref_slice %arg5[%add3A_119, %dma_wait3A_290] : memref<196x128xi32, #tpu.memory_space<vmem>> -> memref<1x128xi32, #tpu.memory_space<vmem>>
      %dma_wait3A_292 = tpu.memref_squeeze %dma_wait3A_291 : memref<1x128xi32, #tpu.memory_space<vmem>> -> memref<128xi32, #tpu.memory_space<vmem>>
      %dma_wait3A_293 = arith.constant 0 : i32
      %dma_wait3A_294 = arith.constant 0 : i32
      %dma_wait3A_295 = tpu.memref_slice %arg3[%dma_wait3A_293, %dma_wait3A_294] : memref<324x40xf32, #tpu.memory_space<hbm>> -> memref<324x40xf32, #tpu.memory_space<hbm>>
      tpu.wait_indirect_dma semaphore(%arg7 : memref<!tpu.dma_semaphore, #tpu.memory_space<semaphore_mem>>) src(%dma_wait3A_295 : memref<324x40xf32, #tpu.memory_space<hbm>>) dst(%dma_wait3A_289 : memref<128x40xf32, #tpu.memory_space<vmem>>)
      %dma_wait3A_296 = arith.constant 8 : i32
      %dma_wait3A_297 = arith.constant 0 : i32
      %dma_wait3A_298 = arith.constant 0 : i32
      %dma_wait3A_299 = tpu.memref_slice %arg6[%dma_wait3A_296, %dma_wait3A_297, %dma_wait3A_298] : memref<14x128x40xf32, #tpu.memory_space<vmem>> -> memref<1x128x40xf32, #tpu.memory_space<vmem>>
      %dma_wait3A_300 = tpu.memref_squeeze %dma_wait3A_299 : memref<1x128x40xf32, #tpu.memory_space<vmem>> -> memref<128x40xf32, #tpu.memory_space<vmem>>
      %dma_wait3A_301 = arith.constant 0 : i32
      %dma_wait3A_302 = tpu.memref_slice %arg5[%add3A_132, %dma_wait3A_301] : memref<196x128xi32, #tpu.memory_space<vmem>> -> memref<1x128xi32, #tpu.memory_space<vmem>>
      %dma_wait3A_303 = tpu.memref_squeeze %dma_wait3A_302 : memref<1x128xi32, #tpu.memory_space<vmem>> -> memref<128xi32, #tpu.memory_space<vmem>>
      %dma_wait3A_304 = arith.constant 0 : i32
      %dma_wait3A_305 = arith.constant 0 : i32
      %dma_wait3A_306 = tpu.memref_slice %arg3[%dma_wait3A_304, %dma_wait3A_305] : memref<324x40xf32, #tpu.memory_space<hbm>> -> memref<324x40xf32, #tpu.memory_space<hbm>>
      tpu.wait_indirect_dma semaphore(%arg7 : memref<!tpu.dma_semaphore, #tpu.memory_space<semaphore_mem>>) src(%dma_wait3A_306 : memref<324x40xf32, #tpu.memory_space<hbm>>) dst(%dma_wait3A_300 : memref<128x40xf32, #tpu.memory_space<vmem>>)
      %dma_wait3A_307 = arith.constant 9 : i32
      %dma_wait3A_308 = arith.constant 0 : i32
      %dma_wait3A_309 = arith.constant 0 : i32
      %dma_wait3A_310 = tpu.memref_slice %arg6[%dma_wait3A_307, %dma_wait3A_308, %dma_wait3A_309] : memref<14x128x40xf32, #tpu.memory_space<vmem>> -> memref<1x128x40xf32, #tpu.memory_space<vmem>>
      %dma_wait3A_311 = tpu.memref_squeeze %dma_wait3A_310 : memref<1x128x40xf32, #tpu.memory_space<vmem>> -> memref<128x40xf32, #tpu.memory_space<vmem>>
      %dma_wait3A_312 = arith.constant 0 : i32
      %dma_wait3A_313 = tpu.memref_slice %arg5[%add3A_145, %dma_wait3A_312] : memref<196x128xi32, #tpu.memory_space<vmem>> -> memref<1x128xi32, #tpu.memory_space<vmem>>
      %dma_wait3A_314 = tpu.memref_squeeze %dma_wait3A_313 : memref<1x128xi32, #tpu.memory_space<vmem>> -> memref<128xi32, #tpu.memory_space<vmem>>
      %dma_wait3A_315 = arith.constant 0 : i32
      %dma_wait3A_316 = arith.constant 0 : i32
      %dma_wait3A_317 = tpu.memref_slice %arg3[%dma_wait3A_315, %dma_wait3A_316] : memref<324x40xf32, #tpu.memory_space<hbm>> -> memref<324x40xf32, #tpu.memory_space<hbm>>
      tpu.wait_indirect_dma semaphore(%arg7 : memref<!tpu.dma_semaphore, #tpu.memory_space<semaphore_mem>>) src(%dma_wait3A_317 : memref<324x40xf32, #tpu.memory_space<hbm>>) dst(%dma_wait3A_311 : memref<128x40xf32, #tpu.memory_space<vmem>>)
      %dma_wait3A_318 = arith.constant 10 : i32
      %dma_wait3A_319 = arith.constant 0 : i32
      %dma_wait3A_320 = arith.constant 0 : i32
      %dma_wait3A_321 = tpu.memref_slice %arg6[%dma_wait3A_318, %dma_wait3A_319, %dma_wait3A_320] : memref<14x128x40xf32, #tpu.memory_space<vmem>> -> memref<1x128x40xf32, #tpu.memory_space<vmem>>
      %dma_wait3A_322 = tpu.memref_squeeze %dma_wait3A_321 : memref<1x128x40xf32, #tpu.memory_space<vmem>> -> memref<128x40xf32, #tpu.memory_space<vmem>>
      %dma_wait3A_323 = arith.constant 0 : i32
      %dma_wait3A_324 = tpu.memref_slice %arg5[%add3A_158, %dma_wait3A_323] : memref<196x128xi32, #tpu.memory_space<vmem>> -> memref<1x128xi32, #tpu.memory_space<vmem>>
      %dma_wait3A_325 = tpu.memref_squeeze %dma_wait3A_324 : memref<1x128xi32, #tpu.memory_space<vmem>> -> memref<128xi32, #tpu.memory_space<vmem>>
      %dma_wait3A_326 = arith.constant 0 : i32
      %dma_wait3A_327 = arith.constant 0 : i32
      %dma_wait3A_328 = tpu.memref_slice %arg3[%dma_wait3A_326, %dma_wait3A_327] : memref<324x40xf32, #tpu.memory_space<hbm>> -> memref<324x40xf32, #tpu.memory_space<hbm>>
      tpu.wait_indirect_dma semaphore(%arg7 : memref<!tpu.dma_semaphore, #tpu.memory_space<semaphore_mem>>) src(%dma_wait3A_328 : memref<324x40xf32, #tpu.memory_space<hbm>>) dst(%dma_wait3A_322 : memref<128x40xf32, #tpu.memory_space<vmem>>)
      %dma_wait3A_329 = arith.constant 11 : i32
      %dma_wait3A_330 = arith.constant 0 : i32
      %dma_wait3A_331 = arith.constant 0 : i32
      %dma_wait3A_332 = tpu.memref_slice %arg6[%dma_wait3A_329, %dma_wait3A_330, %dma_wait3A_331] : memref<14x128x40xf32, #tpu.memory_space<vmem>> -> memref<1x128x40xf32, #tpu.memory_space<vmem>>
      %dma_wait3A_333 = tpu.memref_squeeze %dma_wait3A_332 : memref<1x128x40xf32, #tpu.memory_space<vmem>> -> memref<128x40xf32, #tpu.memory_space<vmem>>
      %dma_wait3A_334 = arith.constant 0 : i32
      %dma_wait3A_335 = tpu.memref_slice %arg5[%add3A_171, %dma_wait3A_334] : memref<196x128xi32, #tpu.memory_space<vmem>> -> memref<1x128xi32, #tpu.memory_space<vmem>>
      %dma_wait3A_336 = tpu.memref_squeeze %dma_wait3A_335 : memref<1x128xi32, #tpu.memory_space<vmem>> -> memref<128xi32, #tpu.memory_space<vmem>>
      %dma_wait3A_337 = arith.constant 0 : i32
      %dma_wait3A_338 = arith.constant 0 : i32
      %dma_wait3A_339 = tpu.memref_slice %arg3[%dma_wait3A_337, %dma_wait3A_338] : memref<324x40xf32, #tpu.memory_space<hbm>> -> memref<324x40xf32, #tpu.memory_space<hbm>>
      tpu.wait_indirect_dma semaphore(%arg7 : memref<!tpu.dma_semaphore, #tpu.memory_space<semaphore_mem>>) src(%dma_wait3A_339 : memref<324x40xf32, #tpu.memory_space<hbm>>) dst(%dma_wait3A_333 : memref<128x40xf32, #tpu.memory_space<vmem>>)
      %dma_wait3A_340 = arith.constant 12 : i32
      %dma_wait3A_341 = arith.constant 0 : i32
      %dma_wait3A_342 = arith.constant 0 : i32
      %dma_wait3A_343 = tpu.memref_slice %arg6[%dma_wait3A_340, %dma_wait3A_341, %dma_wait3A_342] : memref<14x128x40xf32, #tpu.memory_space<vmem>> -> memref<1x128x40xf32, #tpu.memory_space<vmem>>
      %dma_wait3A_344 = tpu.memref_squeeze %dma_wait3A_343 : memref<1x128x40xf32, #tpu.memory_space<vmem>> -> memref<128x40xf32, #tpu.memory_space<vmem>>
      %dma_wait3A_345 = arith.constant 0 : i32
      %dma_wait3A_346 = tpu.memref_slice %arg5[%add3A_184, %dma_wait3A_345] : memref<196x128xi32, #tpu.memory_space<vmem>> -> memref<1x128xi32, #tpu.memory_space<vmem>>
      %dma_wait3A_347 = tpu.memref_squeeze %dma_wait3A_346 : memref<1x128xi32, #tpu.memory_space<vmem>> -> memref<128xi32, #tpu.memory_space<vmem>>
      %dma_wait3A_348 = arith.constant 0 : i32
      %dma_wait3A_349 = arith.constant 0 : i32
      %dma_wait3A_350 = tpu.memref_slice %arg3[%dma_wait3A_348, %dma_wait3A_349] : memref<324x40xf32, #tpu.memory_space<hbm>> -> memref<324x40xf32, #tpu.memory_space<hbm>>
      tpu.wait_indirect_dma semaphore(%arg7 : memref<!tpu.dma_semaphore, #tpu.memory_space<semaphore_mem>>) src(%dma_wait3A_350 : memref<324x40xf32, #tpu.memory_space<hbm>>) dst(%dma_wait3A_344 : memref<128x40xf32, #tpu.memory_space<vmem>>)
      %dma_wait3A_351 = arith.constant 13 : i32
      %dma_wait3A_352 = arith.constant 0 : i32
      %dma_wait3A_353 = arith.constant 0 : i32
      %dma_wait3A_354 = tpu.memref_slice %arg6[%dma_wait3A_351, %dma_wait3A_352, %dma_wait3A_353] : memref<14x128x40xf32, #tpu.memory_space<vmem>> -> memref<1x128x40xf32, #tpu.memory_space<vmem>>
      %dma_wait3A_355 = tpu.memref_squeeze %dma_wait3A_354 : memref<1x128x40xf32, #tpu.memory_space<vmem>> -> memref<128x40xf32, #tpu.memory_space<vmem>>
      %dma_wait3A_356 = arith.constant 0 : i32
      %dma_wait3A_357 = tpu.memref_slice %arg5[%add3A_197, %dma_wait3A_356] : memref<196x128xi32, #tpu.memory_space<vmem>> -> memref<1x128xi32, #tpu.memory_space<vmem>>
      %dma_wait3A_358 = tpu.memref_squeeze %dma_wait3A_357 : memref<1x128xi32, #tpu.memory_space<vmem>> -> memref<128xi32, #tpu.memory_space<vmem>>
      %dma_wait3A_359 = arith.constant 0 : i32
      %dma_wait3A_360 = arith.constant 0 : i32
      %dma_wait3A_361 = tpu.memref_slice %arg3[%dma_wait3A_359, %dma_wait3A_360] : memref<324x40xf32, #tpu.memory_space<hbm>> -> memref<324x40xf32, #tpu.memory_space<hbm>>
      tpu.wait_indirect_dma semaphore(%arg7 : memref<!tpu.dma_semaphore, #tpu.memory_space<semaphore_mem>>) src(%dma_wait3A_361 : memref<324x40xf32, #tpu.memory_space<hbm>>) dst(%dma_wait3A_355 : memref<128x40xf32, #tpu.memory_space<vmem>>)
      %add3A_362 = arith.addi %min3A_19, %mul3A_27 : i32
      %add3A_363 = arith.constant 0 : i32
      %add3A_364 = arith.addi %add3A_362, %add3A_363 : i32
      %mul3A_365 = arith.constant 128 : i32
      %mul3A_366 = arith.muli %add3A_364, %mul3A_365 : i32
      %dma_start3A_367 = arith.constant 0 : i32
      %dma_start3A_368 = arith.constant 0 : i32
      %dma_start3A_369 = arith.constant 0 : i32
      %dma_start3A_370 = tpu.memref_slice %arg6[%dma_start3A_367, %dma_start3A_368, %dma_start3A_369] : memref<14x128x40xf32, #tpu.memory_space<vmem>> -> memref<1x128x40xf32, #tpu.memory_space<vmem>>
      %dma_start3A_371 = tpu.memref_squeeze %dma_start3A_370 : memref<1x128x40xf32, #tpu.memory_space<vmem>> -> memref<128x40xf32, #tpu.memory_space<vmem>>
      %dma_start3A_372 = arith.constant 0 : i32
      %dma_start3A_373 = tpu.memref_slice %arg4[%mul3A_366, %dma_start3A_372] : memref<800000x40xf32, #tpu.memory_space<hbm>> -> memref<128x40xf32, #tpu.memory_space<hbm>>
      %dma_start3A_374 = arith.constant 0 : i32
      %dma_start3A_375 = tpu.memref_slice %arg4[%mul3A_366, %dma_start3A_374] : memref<800000x40xf32, #tpu.memory_space<hbm>> -> memref<128x40xf32, #tpu.memory_space<hbm>>
      %dma_start3A_376 = arith.constant 0 : i32
      %dma_start3A_377 = arith.constant 0 : i32
      %dma_start3A_378 = tpu.memref_slice %arg6[%dma_start3A_367, %dma_start3A_376, %dma_start3A_377] : memref<14x128x40xf32, #tpu.memory_space<vmem>> -> memref<1x128x40xf32, #tpu.memory_space<vmem>>
      %dma_start3A_379 = tpu.memref_squeeze %dma_start3A_378 : memref<1x128x40xf32, #tpu.memory_space<vmem>> -> memref<128x40xf32, #tpu.memory_space<vmem>>
      tpu.enqueue_dma source(%dma_start3A_379 : memref<128x40xf32, #tpu.memory_space<vmem>>) target(%dma_start3A_375 : memref<128x40xf32, #tpu.memory_space<hbm>>) target_semaphore(%arg8 : memref<!tpu.dma_semaphore, #tpu.memory_space<semaphore_mem>>)
      %add3A_380 = arith.addi %min3A_19, %mul3A_27 : i32
      %add3A_381 = arith.constant 1 : i32
      %add3A_382 = arith.addi %add3A_380, %add3A_381 : i32
      %mul3A_383 = arith.constant 128 : i32
      %mul3A_384 = arith.muli %add3A_382, %mul3A_383 : i32
      %dma_start3A_385 = arith.constant 1 : i32
      %dma_start3A_386 = arith.constant 0 : i32
      %dma_start3A_387 = arith.constant 0 : i32
      %dma_start3A_388 = tpu.memref_slice %arg6[%dma_start3A_385, %dma_start3A_386, %dma_start3A_387] : memref<14x128x40xf32, #tpu.memory_space<vmem>> -> memref<1x128x40xf32, #tpu.memory_space<vmem>>
      %dma_start3A_389 = tpu.memref_squeeze %dma_start3A_388 : memref<1x128x40xf32, #tpu.memory_space<vmem>> -> memref<128x40xf32, #tpu.memory_space<vmem>>
      %dma_start3A_390 = arith.constant 0 : i32
      %dma_start3A_391 = tpu.memref_slice %arg4[%mul3A_384, %dma_start3A_390] : memref<800000x40xf32, #tpu.memory_space<hbm>> -> memref<128x40xf32, #tpu.memory_space<hbm>>
      %dma_start3A_392 = arith.constant 0 : i32
      %dma_start3A_393 = tpu.memref_slice %arg4[%mul3A_384, %dma_start3A_392] : memref<800000x40xf32, #tpu.memory_space<hbm>> -> memref<128x40xf32, #tpu.memory_space<hbm>>
      %dma_start3A_394 = arith.constant 0 : i32
      %dma_start3A_395 = arith.constant 0 : i32
      %dma_start3A_396 = tpu.memref_slice %arg6[%dma_start3A_385, %dma_start3A_394, %dma_start3A_395] : memref<14x128x40xf32, #tpu.memory_space<vmem>> -> memref<1x128x40xf32, #tpu.memory_space<vmem>>
      %dma_start3A_397 = tpu.memref_squeeze %dma_start3A_396 : memref<1x128x40xf32, #tpu.memory_space<vmem>> -> memref<128x40xf32, #tpu.memory_space<vmem>>
      tpu.enqueue_dma source(%dma_start3A_397 : memref<128x40xf32, #tpu.memory_space<vmem>>) target(%dma_start3A_393 : memref<128x40xf32, #tpu.memory_space<hbm>>) target_semaphore(%arg8 : memref<!tpu.dma_semaphore, #tpu.memory_space<semaphore_mem>>)
      %add3A_398 = arith.addi %min3A_19, %mul3A_27 : i32
      %add3A_399 = arith.constant 2 : i32
      %add3A_400 = arith.addi %add3A_398, %add3A_399 : i32
      %mul3A_401 = arith.constant 128 : i32
      %mul3A_402 = arith.muli %add3A_400, %mul3A_401 : i32
      %dma_start3A_403 = arith.constant 2 : i32
      %dma_start3A_404 = arith.constant 0 : i32
      %dma_start3A_405 = arith.constant 0 : i32
      %dma_start3A_406 = tpu.memref_slice %arg6[%dma_start3A_403, %dma_start3A_404, %dma_start3A_405] : memref<14x128x40xf32, #tpu.memory_space<vmem>> -> memref<1x128x40xf32, #tpu.memory_space<vmem>>
      %dma_start3A_407 = tpu.memref_squeeze %dma_start3A_406 : memref<1x128x40xf32, #tpu.memory_space<vmem>> -> memref<128x40xf32, #tpu.memory_space<vmem>>
      %dma_start3A_408 = arith.constant 0 : i32
      %dma_start3A_409 = tpu.memref_slice %arg4[%mul3A_402, %dma_start3A_408] : memref<800000x40xf32, #tpu.memory_space<hbm>> -> memref<128x40xf32, #tpu.memory_space<hbm>>
      %dma_start3A_410 = arith.constant 0 : i32
      %dma_start3A_411 = tpu.memref_slice %arg4[%mul3A_402, %dma_start3A_410] : memref<800000x40xf32, #tpu.memory_space<hbm>> -> memref<128x40xf32, #tpu.memory_space<hbm>>
      %dma_start3A_412 = arith.constant 0 : i32
      %dma_start3A_413 = arith.constant 0 : i32
      %dma_start3A_414 = tpu.memref_slice %arg6[%dma_start3A_403, %dma_start3A_412, %dma_start3A_413] : memref<14x128x40xf32, #tpu.memory_space<vmem>> -> memref<1x128x40xf32, #tpu.memory_space<vmem>>
      %dma_start3A_415 = tpu.memref_squeeze %dma_start3A_414 : memref<1x128x40xf32, #tpu.memory_space<vmem>> -> memref<128x40xf32, #tpu.memory_space<vmem>>
      tpu.enqueue_dma source(%dma_start3A_415 : memref<128x40xf32, #tpu.memory_space<vmem>>) target(%dma_start3A_411 : memref<128x40xf32, #tpu.memory_space<hbm>>) target_semaphore(%arg8 : memref<!tpu.dma_semaphore, #tpu.memory_space<semaphore_mem>>)
      %add3A_416 = arith.addi %min3A_19, %mul3A_27 : i32
      %add3A_417 = arith.constant 3 : i32
      %add3A_418 = arith.addi %add3A_416, %add3A_417 : i32
      %mul3A_419 = arith.constant 128 : i32
      %mul3A_420 = arith.muli %add3A_418, %mul3A_419 : i32
      %dma_start3A_421 = arith.constant 3 : i32
      %dma_start3A_422 = arith.constant 0 : i32
      %dma_start3A_423 = arith.constant 0 : i32
      %dma_start3A_424 = tpu.memref_slice %arg6[%dma_start3A_421, %dma_start3A_422, %dma_start3A_423] : memref<14x128x40xf32, #tpu.memory_space<vmem>> -> memref<1x128x40xf32, #tpu.memory_space<vmem>>
      %dma_start3A_425 = tpu.memref_squeeze %dma_start3A_424 : memref<1x128x40xf32, #tpu.memory_space<vmem>> -> memref<128x40xf32, #tpu.memory_space<vmem>>
      %dma_start3A_426 = arith.constant 0 : i32
      %dma_start3A_427 = tpu.memref_slice %arg4[%mul3A_420, %dma_start3A_426] : memref<800000x40xf32, #tpu.memory_space<hbm>> -> memref<128x40xf32, #tpu.memory_space<hbm>>
      %dma_start3A_428 = arith.constant 0 : i32
      %dma_start3A_429 = tpu.memref_slice %arg4[%mul3A_420, %dma_start3A_428] : memref<800000x40xf32, #tpu.memory_space<hbm>> -> memref<128x40xf32, #tpu.memory_space<hbm>>
      %dma_start3A_430 = arith.constant 0 : i32
      %dma_start3A_431 = arith.constant 0 : i32
      %dma_start3A_432 = tpu.memref_slice %arg6[%dma_start3A_421, %dma_start3A_430, %dma_start3A_431] : memref<14x128x40xf32, #tpu.memory_space<vmem>> -> memref<1x128x40xf32, #tpu.memory_space<vmem>>
      %dma_start3A_433 = tpu.memref_squeeze %dma_start3A_432 : memref<1x128x40xf32, #tpu.memory_space<vmem>> -> memref<128x40xf32, #tpu.memory_space<vmem>>
      tpu.enqueue_dma source(%dma_start3A_433 : memref<128x40xf32, #tpu.memory_space<vmem>>) target(%dma_start3A_429 : memref<128x40xf32, #tpu.memory_space<hbm>>) target_semaphore(%arg8 : memref<!tpu.dma_semaphore, #tpu.memory_space<semaphore_mem>>)
      %add3A_434 = arith.addi %min3A_19, %mul3A_27 : i32
      %add3A_435 = arith.constant 4 : i32
      %add3A_436 = arith.addi %add3A_434, %add3A_435 : i32
      %mul3A_437 = arith.constant 128 : i32
      %mul3A_438 = arith.muli %add3A_436, %mul3A_437 : i32
      %dma_start3A_439 = arith.constant 4 : i32
      %dma_start3A_440 = arith.constant 0 : i32
      %dma_start3A_441 = arith.constant 0 : i32
      %dma_start3A_442 = tpu.memref_slice %arg6[%dma_start3A_439, %dma_start3A_440, %dma_start3A_441] : memref<14x128x40xf32, #tpu.memory_space<vmem>> -> memref<1x128x40xf32, #tpu.memory_space<vmem>>
      %dma_start3A_443 = tpu.memref_squeeze %dma_start3A_442 : memref<1x128x40xf32, #tpu.memory_space<vmem>> -> memref<128x40xf32, #tpu.memory_space<vmem>>
      %dma_start3A_444 = arith.constant 0 : i32
      %dma_start3A_445 = tpu.memref_slice %arg4[%mul3A_438, %dma_start3A_444] : memref<800000x40xf32, #tpu.memory_space<hbm>> -> memref<128x40xf32, #tpu.memory_space<hbm>>
      %dma_start3A_446 = arith.constant 0 : i32
      %dma_start3A_447 = tpu.memref_slice %arg4[%mul3A_438, %dma_start3A_446] : memref<800000x40xf32, #tpu.memory_space<hbm>> -> memref<128x40xf32, #tpu.memory_space<hbm>>
      %dma_start3A_448 = arith.constant 0 : i32
      %dma_start3A_449 = arith.constant 0 : i32
      %dma_start3A_450 = tpu.memref_slice %arg6[%dma_start3A_439, %dma_start3A_448, %dma_start3A_449] : memref<14x128x40xf32, #tpu.memory_space<vmem>> -> memref<1x128x40xf32, #tpu.memory_space<vmem>>
      %dma_start3A_451 = tpu.memref_squeeze %dma_start3A_450 : memref<1x128x40xf32, #tpu.memory_space<vmem>> -> memref<128x40xf32, #tpu.memory_space<vmem>>
      tpu.enqueue_dma source(%dma_start3A_451 : memref<128x40xf32, #tpu.memory_space<vmem>>) target(%dma_start3A_447 : memref<128x40xf32, #tpu.memory_space<hbm>>) target_semaphore(%arg8 : memref<!tpu.dma_semaphore, #tpu.memory_space<semaphore_mem>>)
      %add3A_452 = arith.addi %min3A_19, %mul3A_27 : i32
      %add3A_453 = arith.constant 5 : i32
      %add3A_454 = arith.addi %add3A_452, %add3A_453 : i32
      %mul3A_455 = arith.constant 128 : i32
      %mul3A_456 = arith.muli %add3A_454, %mul3A_455 : i32
      %dma_start3A_457 = arith.constant 5 : i32
      %dma_start3A_458 = arith.constant 0 : i32
      %dma_start3A_459 = arith.constant 0 : i32
      %dma_start3A_460 = tpu.memref_slice %arg6[%dma_start3A_457, %dma_start3A_458, %dma_start3A_459] : memref<14x128x40xf32, #tpu.memory_space<vmem>> -> memref<1x128x40xf32, #tpu.memory_space<vmem>>
      %dma_start3A_461 = tpu.memref_squeeze %dma_start3A_460 : memref<1x128x40xf32, #tpu.memory_space<vmem>> -> memref<128x40xf32, #tpu.memory_space<vmem>>
      %dma_start3A_462 = arith.constant 0 : i32
      %dma_start3A_463 = tpu.memref_slice %arg4[%mul3A_456, %dma_start3A_462] : memref<800000x40xf32, #tpu.memory_space<hbm>> -> memref<128x40xf32, #tpu.memory_space<hbm>>
      %dma_start3A_464 = arith.constant 0 : i32
      %dma_start3A_465 = tpu.memref_slice %arg4[%mul3A_456, %dma_start3A_464] : memref<800000x40xf32, #tpu.memory_space<hbm>> -> memref<128x40xf32, #tpu.memory_space<hbm>>
      %dma_start3A_466 = arith.constant 0 : i32
      %dma_start3A_467 = arith.constant 0 : i32
      %dma_start3A_468 = tpu.memref_slice %arg6[%dma_start3A_457, %dma_start3A_466, %dma_start3A_467] : memref<14x128x40xf32, #tpu.memory_space<vmem>> -> memref<1x128x40xf32, #tpu.memory_space<vmem>>
      %dma_start3A_469 = tpu.memref_squeeze %dma_start3A_468 : memref<1x128x40xf32, #tpu.memory_space<vmem>> -> memref<128x40xf32, #tpu.memory_space<vmem>>
      tpu.enqueue_dma source(%dma_start3A_469 : memref<128x40xf32, #tpu.memory_space<vmem>>) target(%dma_start3A_465 : memref<128x40xf32, #tpu.memory_space<hbm>>) target_semaphore(%arg8 : memref<!tpu.dma_semaphore, #tpu.memory_space<semaphore_mem>>)
      %add3A_470 = arith.addi %min3A_19, %mul3A_27 : i32
      %add3A_471 = arith.constant 6 : i32
      %add3A_472 = arith.addi %add3A_470, %add3A_471 : i32
      %mul3A_473 = arith.constant 128 : i32
      %mul3A_474 = arith.muli %add3A_472, %mul3A_473 : i32
      %dma_start3A_475 = arith.constant 6 : i32
      %dma_start3A_476 = arith.constant 0 : i32
      %dma_start3A_477 = arith.constant 0 : i32
      %dma_start3A_478 = tpu.memref_slice %arg6[%dma_start3A_475, %dma_start3A_476, %dma_start3A_477] : memref<14x128x40xf32, #tpu.memory_space<vmem>> -> memref<1x128x40xf32, #tpu.memory_space<vmem>>
      %dma_start3A_479 = tpu.memref_squeeze %dma_start3A_478 : memref<1x128x40xf32, #tpu.memory_space<vmem>> -> memref<128x40xf32, #tpu.memory_space<vmem>>
      %dma_start3A_480 = arith.constant 0 : i32
      %dma_start3A_481 = tpu.memref_slice %arg4[%mul3A_474, %dma_start3A_480] : memref<800000x40xf32, #tpu.memory_space<hbm>> -> memref<128x40xf32, #tpu.memory_space<hbm>>
      %dma_start3A_482 = arith.constant 0 : i32
      %dma_start3A_483 = tpu.memref_slice %arg4[%mul3A_474, %dma_start3A_482] : memref<800000x40xf32, #tpu.memory_space<hbm>> -> memref<128x40xf32, #tpu.memory_space<hbm>>
      %dma_start3A_484 = arith.constant 0 : i32
      %dma_start3A_485 = arith.constant 0 : i32
      %dma_start3A_486 = tpu.memref_slice %arg6[%dma_start3A_475, %dma_start3A_484, %dma_start3A_485] : memref<14x128x40xf32, #tpu.memory_space<vmem>> -> memref<1x128x40xf32, #tpu.memory_space<vmem>>
      %dma_start3A_487 = tpu.memref_squeeze %dma_start3A_486 : memref<1x128x40xf32, #tpu.memory_space<vmem>> -> memref<128x40xf32, #tpu.memory_space<vmem>>
      tpu.enqueue_dma source(%dma_start3A_487 : memref<128x40xf32, #tpu.memory_space<vmem>>) target(%dma_start3A_483 : memref<128x40xf32, #tpu.memory_space<hbm>>) target_semaphore(%arg8 : memref<!tpu.dma_semaphore, #tpu.memory_space<semaphore_mem>>)
      %add3A_488 = arith.addi %min3A_19, %mul3A_27 : i32
      %add3A_489 = arith.constant 7 : i32
      %add3A_490 = arith.addi %add3A_488, %add3A_489 : i32
      %mul3A_491 = arith.constant 128 : i32
      %mul3A_492 = arith.muli %add3A_490, %mul3A_491 : i32
      %dma_start3A_493 = arith.constant 7 : i32
      %dma_start3A_494 = arith.constant 0 : i32
      %dma_start3A_495 = arith.constant 0 : i32
      %dma_start3A_496 = tpu.memref_slice %arg6[%dma_start3A_493, %dma_start3A_494, %dma_start3A_495] : memref<14x128x40xf32, #tpu.memory_space<vmem>> -> memref<1x128x40xf32, #tpu.memory_space<vmem>>
      %dma_start3A_497 = tpu.memref_squeeze %dma_start3A_496 : memref<1x128x40xf32, #tpu.memory_space<vmem>> -> memref<128x40xf32, #tpu.memory_space<vmem>>
      %dma_start3A_498 = arith.constant 0 : i32
      %dma_start3A_499 = tpu.memref_slice %arg4[%mul3A_492, %dma_start3A_498] : memref<800000x40xf32, #tpu.memory_space<hbm>> -> memref<128x40xf32, #tpu.memory_space<hbm>>
      %dma_start3A_500 = arith.constant 0 : i32
      %dma_start3A_501 = tpu.memref_slice %arg4[%mul3A_492, %dma_start3A_500] : memref<800000x40xf32, #tpu.memory_space<hbm>> -> memref<128x40xf32, #tpu.memory_space<hbm>>
      %dma_start3A_502 = arith.constant 0 : i32
      %dma_start3A_503 = arith.constant 0 : i32
      %dma_start3A_504 = tpu.memref_slice %arg6[%dma_start3A_493, %dma_start3A_502, %dma_start3A_503] : memref<14x128x40xf32, #tpu.memory_space<vmem>> -> memref<1x128x40xf32, #tpu.memory_space<vmem>>
      %dma_start3A_505 = tpu.memref_squeeze %dma_start3A_504 : memref<1x128x40xf32, #tpu.memory_space<vmem>> -> memref<128x40xf32, #tpu.memory_space<vmem>>
      tpu.enqueue_dma source(%dma_start3A_505 : memref<128x40xf32, #tpu.memory_space<vmem>>) target(%dma_start3A_501 : memref<128x40xf32, #tpu.memory_space<hbm>>) target_semaphore(%arg8 : memref<!tpu.dma_semaphore, #tpu.memory_space<semaphore_mem>>)
      %add3A_506 = arith.addi %min3A_19, %mul3A_27 : i32
      %add3A_507 = arith.constant 8 : i32
      %add3A_508 = arith.addi %add3A_506, %add3A_507 : i32
      %mul3A_509 = arith.constant 128 : i32
      %mul3A_510 = arith.muli %add3A_508, %mul3A_509 : i32
      %dma_start3A_511 = arith.constant 8 : i32
      %dma_start3A_512 = arith.constant 0 : i32
      %dma_start3A_513 = arith.constant 0 : i32
      %dma_start3A_514 = tpu.memref_slice %arg6[%dma_start3A_511, %dma_start3A_512, %dma_start3A_513] : memref<14x128x40xf32, #tpu.memory_space<vmem>> -> memref<1x128x40xf32, #tpu.memory_space<vmem>>
      %dma_start3A_515 = tpu.memref_squeeze %dma_start3A_514 : memref<1x128x40xf32, #tpu.memory_space<vmem>> -> memref<128x40xf32, #tpu.memory_space<vmem>>
      %dma_start3A_516 = arith.constant 0 : i32
      %dma_start3A_517 = tpu.memref_slice %arg4[%mul3A_510, %dma_start3A_516] : memref<800000x40xf32, #tpu.memory_space<hbm>> -> memref<128x40xf32, #tpu.memory_space<hbm>>
      %dma_start3A_518 = arith.constant 0 : i32
      %dma_start3A_519 = tpu.memref_slice %arg4[%mul3A_510, %dma_start3A_518] : memref<800000x40xf32, #tpu.memory_space<hbm>> -> memref<128x40xf32, #tpu.memory_space<hbm>>
      %dma_start3A_520 = arith.constant 0 : i32
      %dma_start3A_521 = arith.constant 0 : i32
      %dma_start3A_522 = tpu.memref_slice %arg6[%dma_start3A_511, %dma_start3A_520, %dma_start3A_521] : memref<14x128x40xf32, #tpu.memory_space<vmem>> -> memref<1x128x40xf32, #tpu.memory_space<vmem>>
      %dma_start3A_523 = tpu.memref_squeeze %dma_start3A_522 : memref<1x128x40xf32, #tpu.memory_space<vmem>> -> memref<128x40xf32, #tpu.memory_space<vmem>>
      tpu.enqueue_dma source(%dma_start3A_523 : memref<128x40xf32, #tpu.memory_space<vmem>>) target(%dma_start3A_519 : memref<128x40xf32, #tpu.memory_space<hbm>>) target_semaphore(%arg8 : memref<!tpu.dma_semaphore, #tpu.memory_space<semaphore_mem>>)
      %add3A_524 = arith.addi %min3A_19, %mul3A_27 : i32
      %add3A_525 = arith.constant 9 : i32
      %add3A_526 = arith.addi %add3A_524, %add3A_525 : i32
      %mul3A_527 = arith.constant 128 : i32
      %mul3A_528 = arith.muli %add3A_526, %mul3A_527 : i32
      %dma_start3A_529 = arith.constant 9 : i32
      %dma_start3A_530 = arith.constant 0 : i32
      %dma_start3A_531 = arith.constant 0 : i32
      %dma_start3A_532 = tpu.memref_slice %arg6[%dma_start3A_529, %dma_start3A_530, %dma_start3A_531] : memref<14x128x40xf32, #tpu.memory_space<vmem>> -> memref<1x128x40xf32, #tpu.memory_space<vmem>>
      %dma_start3A_533 = tpu.memref_squeeze %dma_start3A_532 : memref<1x128x40xf32, #tpu.memory_space<vmem>> -> memref<128x40xf32, #tpu.memory_space<vmem>>
      %dma_start3A_534 = arith.constant 0 : i32
      %dma_start3A_535 = tpu.memref_slice %arg4[%mul3A_528, %dma_start3A_534] : memref<800000x40xf32, #tpu.memory_space<hbm>> -> memref<128x40xf32, #tpu.memory_space<hbm>>
      %dma_start3A_536 = arith.constant 0 : i32
      %dma_start3A_537 = tpu.memref_slice %arg4[%mul3A_528, %dma_start3A_536] : memref<800000x40xf32, #tpu.memory_space<hbm>> -> memref<128x40xf32, #tpu.memory_space<hbm>>
      %dma_start3A_538 = arith.constant 0 : i32
      %dma_start3A_539 = arith.constant 0 : i32
      %dma_start3A_540 = tpu.memref_slice %arg6[%dma_start3A_529, %dma_start3A_538, %dma_start3A_539] : memref<14x128x40xf32, #tpu.memory_space<vmem>> -> memref<1x128x40xf32, #tpu.memory_space<vmem>>
      %dma_start3A_541 = tpu.memref_squeeze %dma_start3A_540 : memref<1x128x40xf32, #tpu.memory_space<vmem>> -> memref<128x40xf32, #tpu.memory_space<vmem>>
      tpu.enqueue_dma source(%dma_start3A_541 : memref<128x40xf32, #tpu.memory_space<vmem>>) target(%dma_start3A_537 : memref<128x40xf32, #tpu.memory_space<hbm>>) target_semaphore(%arg8 : memref<!tpu.dma_semaphore, #tpu.memory_space<semaphore_mem>>)
      %add3A_542 = arith.addi %min3A_19, %mul3A_27 : i32
      %add3A_543 = arith.constant 10 : i32
      %add3A_544 = arith.addi %add3A_542, %add3A_543 : i32
      %mul3A_545 = arith.constant 128 : i32
      %mul3A_546 = arith.muli %add3A_544, %mul3A_545 : i32
      %dma_start3A_547 = arith.constant 10 : i32
      %dma_start3A_548 = arith.constant 0 : i32
      %dma_start3A_549 = arith.constant 0 : i32
      %dma_start3A_550 = tpu.memref_slice %arg6[%dma_start3A_547, %dma_start3A_548, %dma_start3A_549] : memref<14x128x40xf32, #tpu.memory_space<vmem>> -> memref<1x128x40xf32, #tpu.memory_space<vmem>>
      %dma_start3A_551 = tpu.memref_squeeze %dma_start3A_550 : memref<1x128x40xf32, #tpu.memory_space<vmem>> -> memref<128x40xf32, #tpu.memory_space<vmem>>
      %dma_start3A_552 = arith.constant 0 : i32
      %dma_start3A_553 = tpu.memref_slice %arg4[%mul3A_546, %dma_start3A_552] : memref<800000x40xf32, #tpu.memory_space<hbm>> -> memref<128x40xf32, #tpu.memory_space<hbm>>
      %dma_start3A_554 = arith.constant 0 : i32
      %dma_start3A_555 = tpu.memref_slice %arg4[%mul3A_546, %dma_start3A_554] : memref<800000x40xf32, #tpu.memory_space<hbm>> -> memref<128x40xf32, #tpu.memory_space<hbm>>
      %dma_start3A_556 = arith.constant 0 : i32
      %dma_start3A_557 = arith.constant 0 : i32
      %dma_start3A_558 = tpu.memref_slice %arg6[%dma_start3A_547, %dma_start3A_556, %dma_start3A_557] : memref<14x128x40xf32, #tpu.memory_space<vmem>> -> memref<1x128x40xf32, #tpu.memory_space<vmem>>
      %dma_start3A_559 = tpu.memref_squeeze %dma_start3A_558 : memref<1x128x40xf32, #tpu.memory_space<vmem>> -> memref<128x40xf32, #tpu.memory_space<vmem>>
      tpu.enqueue_dma source(%dma_start3A_559 : memref<128x40xf32, #tpu.memory_space<vmem>>) target(%dma_start3A_555 : memref<128x40xf32, #tpu.memory_space<hbm>>) target_semaphore(%arg8 : memref<!tpu.dma_semaphore, #tpu.memory_space<semaphore_mem>>)
      %add3A_560 = arith.addi %min3A_19, %mul3A_27 : i32
      %add3A_561 = arith.constant 11 : i32
      %add3A_562 = arith.addi %add3A_560, %add3A_561 : i32
      %mul3A_563 = arith.constant 128 : i32
      %mul3A_564 = arith.muli %add3A_562, %mul3A_563 : i32
      %dma_start3A_565 = arith.constant 11 : i32
      %dma_start3A_566 = arith.constant 0 : i32
      %dma_start3A_567 = arith.constant 0 : i32
      %dma_start3A_568 = tpu.memref_slice %arg6[%dma_start3A_565, %dma_start3A_566, %dma_start3A_567] : memref<14x128x40xf32, #tpu.memory_space<vmem>> -> memref<1x128x40xf32, #tpu.memory_space<vmem>>
      %dma_start3A_569 = tpu.memref_squeeze %dma_start3A_568 : memref<1x128x40xf32, #tpu.memory_space<vmem>> -> memref<128x40xf32, #tpu.memory_space<vmem>>
      %dma_start3A_570 = arith.constant 0 : i32
      %dma_start3A_571 = tpu.memref_slice %arg4[%mul3A_564, %dma_start3A_570] : memref<800000x40xf32, #tpu.memory_space<hbm>> -> memref<128x40xf32, #tpu.memory_space<hbm>>
      %dma_start3A_572 = arith.constant 0 : i32
      %dma_start3A_573 = tpu.memref_slice %arg4[%mul3A_564, %dma_start3A_572] : memref<800000x40xf32, #tpu.memory_space<hbm>> -> memref<128x40xf32, #tpu.memory_space<hbm>>
      %dma_start3A_574 = arith.constant 0 : i32
      %dma_start3A_575 = arith.constant 0 : i32
      %dma_start3A_576 = tpu.memref_slice %arg6[%dma_start3A_565, %dma_start3A_574, %dma_start3A_575] : memref<14x128x40xf32, #tpu.memory_space<vmem>> -> memref<1x128x40xf32, #tpu.memory_space<vmem>>
      %dma_start3A_577 = tpu.memref_squeeze %dma_start3A_576 : memref<1x128x40xf32, #tpu.memory_space<vmem>> -> memref<128x40xf32, #tpu.memory_space<vmem>>
      tpu.enqueue_dma source(%dma_start3A_577 : memref<128x40xf32, #tpu.memory_space<vmem>>) target(%dma_start3A_573 : memref<128x40xf32, #tpu.memory_space<hbm>>) target_semaphore(%arg8 : memref<!tpu.dma_semaphore, #tpu.memory_space<semaphore_mem>>)
      %add3A_578 = arith.addi %min3A_19, %mul3A_27 : i32
      %add3A_579 = arith.constant 12 : i32
      %add3A_580 = arith.addi %add3A_578, %add3A_579 : i32
      %mul3A_581 = arith.constant 128 : i32
      %mul3A_582 = arith.muli %add3A_580, %mul3A_581 : i32
      %dma_start3A_583 = arith.constant 12 : i32
      %dma_start3A_584 = arith.constant 0 : i32
      %dma_start3A_585 = arith.constant 0 : i32
      %dma_start3A_586 = tpu.memref_slice %arg6[%dma_start3A_583, %dma_start3A_584, %dma_start3A_585] : memref<14x128x40xf32, #tpu.memory_space<vmem>> -> memref<1x128x40xf32, #tpu.memory_space<vmem>>
      %dma_start3A_587 = tpu.memref_squeeze %dma_start3A_586 : memref<1x128x40xf32, #tpu.memory_space<vmem>> -> memref<128x40xf32, #tpu.memory_space<vmem>>
      %dma_start3A_588 = arith.constant 0 : i32
      %dma_start3A_589 = tpu.memref_slice %arg4[%mul3A_582, %dma_start3A_588] : memref<800000x40xf32, #tpu.memory_space<hbm>> -> memref<128x40xf32, #tpu.memory_space<hbm>>
      %dma_start3A_590 = arith.constant 0 : i32
      %dma_start3A_591 = tpu.memref_slice %arg4[%mul3A_582, %dma_start3A_590] : memref<800000x40xf32, #tpu.memory_space<hbm>> -> memref<128x40xf32, #tpu.memory_space<hbm>>
      %dma_start3A_592 = arith.constant 0 : i32
      %dma_start3A_593 = arith.constant 0 : i32
      %dma_start3A_594 = tpu.memref_slice %arg6[%dma_start3A_583, %dma_start3A_592, %dma_start3A_593] : memref<14x128x40xf32, #tpu.memory_space<vmem>> -> memref<1x128x40xf32, #tpu.memory_space<vmem>>
      %dma_start3A_595 = tpu.memref_squeeze %dma_start3A_594 : memref<1x128x40xf32, #tpu.memory_space<vmem>> -> memref<128x40xf32, #tpu.memory_space<vmem>>
      tpu.enqueue_dma source(%dma_start3A_595 : memref<128x40xf32, #tpu.memory_space<vmem>>) target(%dma_start3A_591 : memref<128x40xf32, #tpu.memory_space<hbm>>) target_semaphore(%arg8 : memref<!tpu.dma_semaphore, #tpu.memory_space<semaphore_mem>>)
      %add3A_596 = arith.addi %min3A_19, %mul3A_27 : i32
      %add3A_597 = arith.constant 13 : i32
      %add3A_598 = arith.addi %add3A_596, %add3A_597 : i32
      %mul3A_599 = arith.constant 128 : i32
      %mul3A_600 = arith.muli %add3A_598, %mul3A_599 : i32
      %dma_start3A_601 = arith.constant 13 : i32
      %dma_start3A_602 = arith.constant 0 : i32
      %dma_start3A_603 = arith.constant 0 : i32
      %dma_start3A_604 = tpu.memref_slice %arg6[%dma_start3A_601, %dma_start3A_602, %dma_start3A_603] : memref<14x128x40xf32, #tpu.memory_space<vmem>> -> memref<1x128x40xf32, #tpu.memory_space<vmem>>
      %dma_start3A_605 = tpu.memref_squeeze %dma_start3A_604 : memref<1x128x40xf32, #tpu.memory_space<vmem>> -> memref<128x40xf32, #tpu.memory_space<vmem>>
      %dma_start3A_606 = arith.constant 0 : i32
      %dma_start3A_607 = tpu.memref_slice %arg4[%mul3A_600, %dma_start3A_606] : memref<800000x40xf32, #tpu.memory_space<hbm>> -> memref<128x40xf32, #tpu.memory_space<hbm>>
      %dma_start3A_608 = arith.constant 0 : i32
      %dma_start3A_609 = tpu.memref_slice %arg4[%mul3A_600, %dma_start3A_608] : memref<800000x40xf32, #tpu.memory_space<hbm>> -> memref<128x40xf32, #tpu.memory_space<hbm>>
      %dma_start3A_610 = arith.constant 0 : i32
      %dma_start3A_611 = arith.constant 0 : i32
      %dma_start3A_612 = tpu.memref_slice %arg6[%dma_start3A_601, %dma_start3A_610, %dma_start3A_611] : memref<14x128x40xf32, #tpu.memory_space<vmem>> -> memref<1x128x40xf32, #tpu.memory_space<vmem>>
      %dma_start3A_613 = tpu.memref_squeeze %dma_start3A_612 : memref<1x128x40xf32, #tpu.memory_space<vmem>> -> memref<128x40xf32, #tpu.memory_space<vmem>>
      tpu.enqueue_dma source(%dma_start3A_613 : memref<128x40xf32, #tpu.memory_space<vmem>>) target(%dma_start3A_609 : memref<128x40xf32, #tpu.memory_space<hbm>>) target_semaphore(%arg8 : memref<!tpu.dma_semaphore, #tpu.memory_space<semaphore_mem>>)
      %dma_wait3A_614 = arith.constant 0 : i32
      %dma_wait3A_615 = arith.constant 0 : i32
      %dma_wait3A_616 = arith.constant 0 : i32
      %dma_wait3A_617 = tpu.memref_slice %arg6[%dma_wait3A_614, %dma_wait3A_615, %dma_wait3A_616] : memref<14x128x40xf32, #tpu.memory_space<vmem>> -> memref<1x128x40xf32, #tpu.memory_space<vmem>>
      %dma_wait3A_618 = tpu.memref_squeeze %dma_wait3A_617 : memref<1x128x40xf32, #tpu.memory_space<vmem>> -> memref<128x40xf32, #tpu.memory_space<vmem>>
      %dma_wait3A_619 = arith.constant 0 : i32
      %dma_wait3A_620 = tpu.memref_slice %arg4[%mul3A_366, %dma_wait3A_619] : memref<800000x40xf32, #tpu.memory_space<hbm>> -> memref<128x40xf32, #tpu.memory_space<hbm>>
      %dma_wait3A_621 = arith.constant 0 : i32
      %dma_wait3A_622 = tpu.memref_slice %arg4[%mul3A_366, %dma_wait3A_621] : memref<800000x40xf32, #tpu.memory_space<hbm>> -> memref<128x40xf32, #tpu.memory_space<hbm>>
      %dma_wait3A_623 = arith.constant 0 : i32
      %dma_wait3A_624 = arith.constant 0 : i32
      %dma_wait3A_625 = tpu.memref_slice %arg6[%dma_wait3A_614, %dma_wait3A_623, %dma_wait3A_624] : memref<14x128x40xf32, #tpu.memory_space<vmem>> -> memref<1x128x40xf32, #tpu.memory_space<vmem>>
      %dma_wait3A_626 = tpu.memref_squeeze %dma_wait3A_625 : memref<1x128x40xf32, #tpu.memory_space<vmem>> -> memref<128x40xf32, #tpu.memory_space<vmem>>
      tpu.wait_dma2 semaphore(%arg8 : memref<!tpu.dma_semaphore, #tpu.memory_space<semaphore_mem>>) src(%dma_wait3A_626 : memref<128x40xf32, #tpu.memory_space<vmem>>) dst(%dma_wait3A_622 : memref<128x40xf32, #tpu.memory_space<hbm>>)
      %dma_wait3A_627 = arith.constant 1 : i32
      %dma_wait3A_628 = arith.constant 0 : i32
      %dma_wait3A_629 = arith.constant 0 : i32
      %dma_wait3A_630 = tpu.memref_slice %arg6[%dma_wait3A_627, %dma_wait3A_628, %dma_wait3A_629] : memref<14x128x40xf32, #tpu.memory_space<vmem>> -> memref<1x128x40xf32, #tpu.memory_space<vmem>>
      %dma_wait3A_631 = tpu.memref_squeeze %dma_wait3A_630 : memref<1x128x40xf32, #tpu.memory_space<vmem>> -> memref<128x40xf32, #tpu.memory_space<vmem>>
      %dma_wait3A_632 = arith.constant 0 : i32
      %dma_wait3A_633 = tpu.memref_slice %arg4[%mul3A_384, %dma_wait3A_632] : memref<800000x40xf32, #tpu.memory_space<hbm>> -> memref<128x40xf32, #tpu.memory_space<hbm>>
      %dma_wait3A_634 = arith.constant 0 : i32
      %dma_wait3A_635 = tpu.memref_slice %arg4[%mul3A_384, %dma_wait3A_634] : memref<800000x40xf32, #tpu.memory_space<hbm>> -> memref<128x40xf32, #tpu.memory_space<hbm>>
      %dma_wait3A_636 = arith.constant 0 : i32
      %dma_wait3A_637 = arith.constant 0 : i32
      %dma_wait3A_638 = tpu.memref_slice %arg6[%dma_wait3A_627, %dma_wait3A_636, %dma_wait3A_637] : memref<14x128x40xf32, #tpu.memory_space<vmem>> -> memref<1x128x40xf32, #tpu.memory_space<vmem>>
      %dma_wait3A_639 = tpu.memref_squeeze %dma_wait3A_638 : memref<1x128x40xf32, #tpu.memory_space<vmem>> -> memref<128x40xf32, #tpu.memory_space<vmem>>
      tpu.wait_dma2 semaphore(%arg8 : memref<!tpu.dma_semaphore, #tpu.memory_space<semaphore_mem>>) src(%dma_wait3A_639 : memref<128x40xf32, #tpu.memory_space<vmem>>) dst(%dma_wait3A_635 : memref<128x40xf32, #tpu.memory_space<hbm>>)
      %dma_wait3A_640 = arith.constant 2 : i32
      %dma_wait3A_641 = arith.constant 0 : i32
      %dma_wait3A_642 = arith.constant 0 : i32
      %dma_wait3A_643 = tpu.memref_slice %arg6[%dma_wait3A_640, %dma_wait3A_641, %dma_wait3A_642] : memref<14x128x40xf32, #tpu.memory_space<vmem>> -> memref<1x128x40xf32, #tpu.memory_space<vmem>>
      %dma_wait3A_644 = tpu.memref_squeeze %dma_wait3A_643 : memref<1x128x40xf32, #tpu.memory_space<vmem>> -> memref<128x40xf32, #tpu.memory_space<vmem>>
      %dma_wait3A_645 = arith.constant 0 : i32
      %dma_wait3A_646 = tpu.memref_slice %arg4[%mul3A_402, %dma_wait3A_645] : memref<800000x40xf32, #tpu.memory_space<hbm>> -> memref<128x40xf32, #tpu.memory_space<hbm>>
      %dma_wait3A_647 = arith.constant 0 : i32
      %dma_wait3A_648 = tpu.memref_slice %arg4[%mul3A_402, %dma_wait3A_647] : memref<800000x40xf32, #tpu.memory_space<hbm>> -> memref<128x40xf32, #tpu.memory_space<hbm>>
      %dma_wait3A_649 = arith.constant 0 : i32
      %dma_wait3A_650 = arith.constant 0 : i32
      %dma_wait3A_651 = tpu.memref_slice %arg6[%dma_wait3A_640, %dma_wait3A_649, %dma_wait3A_650] : memref<14x128x40xf32, #tpu.memory_space<vmem>> -> memref<1x128x40xf32, #tpu.memory_space<vmem>>
      %dma_wait3A_652 = tpu.memref_squeeze %dma_wait3A_651 : memref<1x128x40xf32, #tpu.memory_space<vmem>> -> memref<128x40xf32, #tpu.memory_space<vmem>>
      tpu.wait_dma2 semaphore(%arg8 : memref<!tpu.dma_semaphore, #tpu.memory_space<semaphore_mem>>) src(%dma_wait3A_652 : memref<128x40xf32, #tpu.memory_space<vmem>>) dst(%dma_wait3A_648 : memref<128x40xf32, #tpu.memory_space<hbm>>)
      %dma_wait3A_653 = arith.constant 3 : i32
      %dma_wait3A_654 = arith.constant 0 : i32
      %dma_wait3A_655 = arith.constant 0 : i32
      %dma_wait3A_656 = tpu.memref_slice %arg6[%dma_wait3A_653, %dma_wait3A_654, %dma_wait3A_655] : memref<14x128x40xf32, #tpu.memory_space<vmem>> -> memref<1x128x40xf32, #tpu.memory_space<vmem>>
      %dma_wait3A_657 = tpu.memref_squeeze %dma_wait3A_656 : memref<1x128x40xf32, #tpu.memory_space<vmem>> -> memref<128x40xf32, #tpu.memory_space<vmem>>
      %dma_wait3A_658 = arith.constant 0 : i32
      %dma_wait3A_659 = tpu.memref_slice %arg4[%mul3A_420, %dma_wait3A_658] : memref<800000x40xf32, #tpu.memory_space<hbm>> -> memref<128x40xf32, #tpu.memory_space<hbm>>
      %dma_wait3A_660 = arith.constant 0 : i32
      %dma_wait3A_661 = tpu.memref_slice %arg4[%mul3A_420, %dma_wait3A_660] : memref<800000x40xf32, #tpu.memory_space<hbm>> -> memref<128x40xf32, #tpu.memory_space<hbm>>
      %dma_wait3A_662 = arith.constant 0 : i32
      %dma_wait3A_663 = arith.constant 0 : i32
      %dma_wait3A_664 = tpu.memref_slice %arg6[%dma_wait3A_653, %dma_wait3A_662, %dma_wait3A_663] : memref<14x128x40xf32, #tpu.memory_space<vmem>> -> memref<1x128x40xf32, #tpu.memory_space<vmem>>
      %dma_wait3A_665 = tpu.memref_squeeze %dma_wait3A_664 : memref<1x128x40xf32, #tpu.memory_space<vmem>> -> memref<128x40xf32, #tpu.memory_space<vmem>>
      tpu.wait_dma2 semaphore(%arg8 : memref<!tpu.dma_semaphore, #tpu.memory_space<semaphore_mem>>) src(%dma_wait3A_665 : memref<128x40xf32, #tpu.memory_space<vmem>>) dst(%dma_wait3A_661 : memref<128x40xf32, #tpu.memory_space<hbm>>)
      %dma_wait3A_666 = arith.constant 4 : i32
      %dma_wait3A_667 = arith.constant 0 : i32
      %dma_wait3A_668 = arith.constant 0 : i32
      %dma_wait3A_669 = tpu.memref_slice %arg6[%dma_wait3A_666, %dma_wait3A_667, %dma_wait3A_668] : memref<14x128x40xf32, #tpu.memory_space<vmem>> -> memref<1x128x40xf32, #tpu.memory_space<vmem>>
      %dma_wait3A_670 = tpu.memref_squeeze %dma_wait3A_669 : memref<1x128x40xf32, #tpu.memory_space<vmem>> -> memref<128x40xf32, #tpu.memory_space<vmem>>
      %dma_wait3A_671 = arith.constant 0 : i32
      %dma_wait3A_672 = tpu.memref_slice %arg4[%mul3A_438, %dma_wait3A_671] : memref<800000x40xf32, #tpu.memory_space<hbm>> -> memref<128x40xf32, #tpu.memory_space<hbm>>
      %dma_wait3A_673 = arith.constant 0 : i32
      %dma_wait3A_674 = tpu.memref_slice %arg4[%mul3A_438, %dma_wait3A_673] : memref<800000x40xf32, #tpu.memory_space<hbm>> -> memref<128x40xf32, #tpu.memory_space<hbm>>
      %dma_wait3A_675 = arith.constant 0 : i32
      %dma_wait3A_676 = arith.constant 0 : i32
      %dma_wait3A_677 = tpu.memref_slice %arg6[%dma_wait3A_666, %dma_wait3A_675, %dma_wait3A_676] : memref<14x128x40xf32, #tpu.memory_space<vmem>> -> memref<1x128x40xf32, #tpu.memory_space<vmem>>
      %dma_wait3A_678 = tpu.memref_squeeze %dma_wait3A_677 : memref<1x128x40xf32, #tpu.memory_space<vmem>> -> memref<128x40xf32, #tpu.memory_space<vmem>>
      tpu.wait_dma2 semaphore(%arg8 : memref<!tpu.dma_semaphore, #tpu.memory_space<semaphore_mem>>) src(%dma_wait3A_678 : memref<128x40xf32, #tpu.memory_space<vmem>>) dst(%dma_wait3A_674 : memref<128x40xf32, #tpu.memory_space<hbm>>)
      %dma_wait3A_679 = arith.constant 5 : i32
      %dma_wait3A_680 = arith.constant 0 : i32
      %dma_wait3A_681 = arith.constant 0 : i32
      %dma_wait3A_682 = tpu.memref_slice %arg6[%dma_wait3A_679, %dma_wait3A_680, %dma_wait3A_681] : memref<14x128x40xf32, #tpu.memory_space<vmem>> -> memref<1x128x40xf32, #tpu.memory_space<vmem>>
      %dma_wait3A_683 = tpu.memref_squeeze %dma_wait3A_682 : memref<1x128x40xf32, #tpu.memory_space<vmem>> -> memref<128x40xf32, #tpu.memory_space<vmem>>
      %dma_wait3A_684 = arith.constant 0 : i32
      %dma_wait3A_685 = tpu.memref_slice %arg4[%mul3A_456, %dma_wait3A_684] : memref<800000x40xf32, #tpu.memory_space<hbm>> -> memref<128x40xf32, #tpu.memory_space<hbm>>
      %dma_wait3A_686 = arith.constant 0 : i32
      %dma_wait3A_687 = tpu.memref_slice %arg4[%mul3A_456, %dma_wait3A_686] : memref<800000x40xf32, #tpu.memory_space<hbm>> -> memref<128x40xf32, #tpu.memory_space<hbm>>
      %dma_wait3A_688 = arith.constant 0 : i32
      %dma_wait3A_689 = arith.constant 0 : i32
      %dma_wait3A_690 = tpu.memref_slice %arg6[%dma_wait3A_679, %dma_wait3A_688, %dma_wait3A_689] : memref<14x128x40xf32, #tpu.memory_space<vmem>> -> memref<1x128x40xf32, #tpu.memory_space<vmem>>
      %dma_wait3A_691 = tpu.memref_squeeze %dma_wait3A_690 : memref<1x128x40xf32, #tpu.memory_space<vmem>> -> memref<128x40xf32, #tpu.memory_space<vmem>>
      tpu.wait_dma2 semaphore(%arg8 : memref<!tpu.dma_semaphore, #tpu.memory_space<semaphore_mem>>) src(%dma_wait3A_691 : memref<128x40xf32, #tpu.memory_space<vmem>>) dst(%dma_wait3A_687 : memref<128x40xf32, #tpu.memory_space<hbm>>)
      %dma_wait3A_692 = arith.constant 6 : i32
      %dma_wait3A_693 = arith.constant 0 : i32
      %dma_wait3A_694 = arith.constant 0 : i32
      %dma_wait3A_695 = tpu.memref_slice %arg6[%dma_wait3A_692, %dma_wait3A_693, %dma_wait3A_694] : memref<14x128x40xf32, #tpu.memory_space<vmem>> -> memref<1x128x40xf32, #tpu.memory_space<vmem>>
      %dma_wait3A_696 = tpu.memref_squeeze %dma_wait3A_695 : memref<1x128x40xf32, #tpu.memory_space<vmem>> -> memref<128x40xf32, #tpu.memory_space<vmem>>
      %dma_wait3A_697 = arith.constant 0 : i32
      %dma_wait3A_698 = tpu.memref_slice %arg4[%mul3A_474, %dma_wait3A_697] : memref<800000x40xf32, #tpu.memory_space<hbm>> -> memref<128x40xf32, #tpu.memory_space<hbm>>
      %dma_wait3A_699 = arith.constant 0 : i32
      %dma_wait3A_700 = tpu.memref_slice %arg4[%mul3A_474, %dma_wait3A_699] : memref<800000x40xf32, #tpu.memory_space<hbm>> -> memref<128x40xf32, #tpu.memory_space<hbm>>
      %dma_wait3A_701 = arith.constant 0 : i32
      %dma_wait3A_702 = arith.constant 0 : i32
      %dma_wait3A_703 = tpu.memref_slice %arg6[%dma_wait3A_692, %dma_wait3A_701, %dma_wait3A_702] : memref<14x128x40xf32, #tpu.memory_space<vmem>> -> memref<1x128x40xf32, #tpu.memory_space<vmem>>
      %dma_wait3A_704 = tpu.memref_squeeze %dma_wait3A_703 : memref<1x128x40xf32, #tpu.memory_space<vmem>> -> memref<128x40xf32, #tpu.memory_space<vmem>>
      tpu.wait_dma2 semaphore(%arg8 : memref<!tpu.dma_semaphore, #tpu.memory_space<semaphore_mem>>) src(%dma_wait3A_704 : memref<128x40xf32, #tpu.memory_space<vmem>>) dst(%dma_wait3A_700 : memref<128x40xf32, #tpu.memory_space<hbm>>)
      %dma_wait3A_705 = arith.constant 7 : i32
      %dma_wait3A_706 = arith.constant 0 : i32
      %dma_wait3A_707 = arith.constant 0 : i32
      %dma_wait3A_708 = tpu.memref_slice %arg6[%dma_wait3A_705, %dma_wait3A_706, %dma_wait3A_707] : memref<14x128x40xf32, #tpu.memory_space<vmem>> -> memref<1x128x40xf32, #tpu.memory_space<vmem>>
      %dma_wait3A_709 = tpu.memref_squeeze %dma_wait3A_708 : memref<1x128x40xf32, #tpu.memory_space<vmem>> -> memref<128x40xf32, #tpu.memory_space<vmem>>
      %dma_wait3A_710 = arith.constant 0 : i32
      %dma_wait3A_711 = tpu.memref_slice %arg4[%mul3A_492, %dma_wait3A_710] : memref<800000x40xf32, #tpu.memory_space<hbm>> -> memref<128x40xf32, #tpu.memory_space<hbm>>
      %dma_wait3A_712 = arith.constant 0 : i32
      %dma_wait3A_713 = tpu.memref_slice %arg4[%mul3A_492, %dma_wait3A_712] : memref<800000x40xf32, #tpu.memory_space<hbm>> -> memref<128x40xf32, #tpu.memory_space<hbm>>
      %dma_wait3A_714 = arith.constant 0 : i32
      %dma_wait3A_715 = arith.constant 0 : i32
      %dma_wait3A_716 = tpu.memref_slice %arg6[%dma_wait3A_705, %dma_wait3A_714, %dma_wait3A_715] : memref<14x128x40xf32, #tpu.memory_space<vmem>> -> memref<1x128x40xf32, #tpu.memory_space<vmem>>
      %dma_wait3A_717 = tpu.memref_squeeze %dma_wait3A_716 : memref<1x128x40xf32, #tpu.memory_space<vmem>> -> memref<128x40xf32, #tpu.memory_space<vmem>>
      tpu.wait_dma2 semaphore(%arg8 : memref<!tpu.dma_semaphore, #tpu.memory_space<semaphore_mem>>) src(%dma_wait3A_717 : memref<128x40xf32, #tpu.memory_space<vmem>>) dst(%dma_wait3A_713 : memref<128x40xf32, #tpu.memory_space<hbm>>)
      %dma_wait3A_718 = arith.constant 8 : i32
      %dma_wait3A_719 = arith.constant 0 : i32
      %dma_wait3A_720 = arith.constant 0 : i32
      %dma_wait3A_721 = tpu.memref_slice %arg6[%dma_wait3A_718, %dma_wait3A_719, %dma_wait3A_720] : memref<14x128x40xf32, #tpu.memory_space<vmem>> -> memref<1x128x40xf32, #tpu.memory_space<vmem>>
      %dma_wait3A_722 = tpu.memref_squeeze %dma_wait3A_721 : memref<1x128x40xf32, #tpu.memory_space<vmem>> -> memref<128x40xf32, #tpu.memory_space<vmem>>
      %dma_wait3A_723 = arith.constant 0 : i32
      %dma_wait3A_724 = tpu.memref_slice %arg4[%mul3A_510, %dma_wait3A_723] : memref<800000x40xf32, #tpu.memory_space<hbm>> -> memref<128x40xf32, #tpu.memory_space<hbm>>
      %dma_wait3A_725 = arith.constant 0 : i32
      %dma_wait3A_726 = tpu.memref_slice %arg4[%mul3A_510, %dma_wait3A_725] : memref<800000x40xf32, #tpu.memory_space<hbm>> -> memref<128x40xf32, #tpu.memory_space<hbm>>
      %dma_wait3A_727 = arith.constant 0 : i32
      %dma_wait3A_728 = arith.constant 0 : i32
      %dma_wait3A_729 = tpu.memref_slice %arg6[%dma_wait3A_718, %dma_wait3A_727, %dma_wait3A_728] : memref<14x128x40xf32, #tpu.memory_space<vmem>> -> memref<1x128x40xf32, #tpu.memory_space<vmem>>
      %dma_wait3A_730 = tpu.memref_squeeze %dma_wait3A_729 : memref<1x128x40xf32, #tpu.memory_space<vmem>> -> memref<128x40xf32, #tpu.memory_space<vmem>>
      tpu.wait_dma2 semaphore(%arg8 : memref<!tpu.dma_semaphore, #tpu.memory_space<semaphore_mem>>) src(%dma_wait3A_730 : memref<128x40xf32, #tpu.memory_space<vmem>>) dst(%dma_wait3A_726 : memref<128x40xf32, #tpu.memory_space<hbm>>)
      %dma_wait3A_731 = arith.constant 9 : i32
      %dma_wait3A_732 = arith.constant 0 : i32
      %dma_wait3A_733 = arith.constant 0 : i32
      %dma_wait3A_734 = tpu.memref_slice %arg6[%dma_wait3A_731, %dma_wait3A_732, %dma_wait3A_733] : memref<14x128x40xf32, #tpu.memory_space<vmem>> -> memref<1x128x40xf32, #tpu.memory_space<vmem>>
      %dma_wait3A_735 = tpu.memref_squeeze %dma_wait3A_734 : memref<1x128x40xf32, #tpu.memory_space<vmem>> -> memref<128x40xf32, #tpu.memory_space<vmem>>
      %dma_wait3A_736 = arith.constant 0 : i32
      %dma_wait3A_737 = tpu.memref_slice %arg4[%mul3A_528, %dma_wait3A_736] : memref<800000x40xf32, #tpu.memory_space<hbm>> -> memref<128x40xf32, #tpu.memory_space<hbm>>
      %dma_wait3A_738 = arith.constant 0 : i32
      %dma_wait3A_739 = tpu.memref_slice %arg4[%mul3A_528, %dma_wait3A_738] : memref<800000x40xf32, #tpu.memory_space<hbm>> -> memref<128x40xf32, #tpu.memory_space<hbm>>
      %dma_wait3A_740 = arith.constant 0 : i32
      %dma_wait3A_741 = arith.constant 0 : i32
      %dma_wait3A_742 = tpu.memref_slice %arg6[%dma_wait3A_731, %dma_wait3A_740, %dma_wait3A_741] : memref<14x128x40xf32, #tpu.memory_space<vmem>> -> memref<1x128x40xf32, #tpu.memory_space<vmem>>
      %dma_wait3A_743 = tpu.memref_squeeze %dma_wait3A_742 : memref<1x128x40xf32, #tpu.memory_space<vmem>> -> memref<128x40xf32, #tpu.memory_space<vmem>>
      tpu.wait_dma2 semaphore(%arg8 : memref<!tpu.dma_semaphore, #tpu.memory_space<semaphore_mem>>) src(%dma_wait3A_743 : memref<128x40xf32, #tpu.memory_space<vmem>>) dst(%dma_wait3A_739 : memref<128x40xf32, #tpu.memory_space<hbm>>)
      %dma_wait3A_744 = arith.constant 10 : i32
      %dma_wait3A_745 = arith.constant 0 : i32
      %dma_wait3A_746 = arith.constant 0 : i32
      %dma_wait3A_747 = tpu.memref_slice %arg6[%dma_wait3A_744, %dma_wait3A_745, %dma_wait3A_746] : memref<14x128x40xf32, #tpu.memory_space<vmem>> -> memref<1x128x40xf32, #tpu.memory_space<vmem>>
      %dma_wait3A_748 = tpu.memref_squeeze %dma_wait3A_747 : memref<1x128x40xf32, #tpu.memory_space<vmem>> -> memref<128x40xf32, #tpu.memory_space<vmem>>
      %dma_wait3A_749 = arith.constant 0 : i32
      %dma_wait3A_750 = tpu.memref_slice %arg4[%mul3A_546, %dma_wait3A_749] : memref<800000x40xf32, #tpu.memory_space<hbm>> -> memref<128x40xf32, #tpu.memory_space<hbm>>
      %dma_wait3A_751 = arith.constant 0 : i32
      %dma_wait3A_752 = tpu.memref_slice %arg4[%mul3A_546, %dma_wait3A_751] : memref<800000x40xf32, #tpu.memory_space<hbm>> -> memref<128x40xf32, #tpu.memory_space<hbm>>
      %dma_wait3A_753 = arith.constant 0 : i32
      %dma_wait3A_754 = arith.constant 0 : i32
      %dma_wait3A_755 = tpu.memref_slice %arg6[%dma_wait3A_744, %dma_wait3A_753, %dma_wait3A_754] : memref<14x128x40xf32, #tpu.memory_space<vmem>> -> memref<1x128x40xf32, #tpu.memory_space<vmem>>
      %dma_wait3A_756 = tpu.memref_squeeze %dma_wait3A_755 : memref<1x128x40xf32, #tpu.memory_space<vmem>> -> memref<128x40xf32, #tpu.memory_space<vmem>>
      tpu.wait_dma2 semaphore(%arg8 : memref<!tpu.dma_semaphore, #tpu.memory_space<semaphore_mem>>) src(%dma_wait3A_756 : memref<128x40xf32, #tpu.memory_space<vmem>>) dst(%dma_wait3A_752 : memref<128x40xf32, #tpu.memory_space<hbm>>)
      %dma_wait3A_757 = arith.constant 11 : i32
      %dma_wait3A_758 = arith.constant 0 : i32
      %dma_wait3A_759 = arith.constant 0 : i32
      %dma_wait3A_760 = tpu.memref_slice %arg6[%dma_wait3A_757, %dma_wait3A_758, %dma_wait3A_759] : memref<14x128x40xf32, #tpu.memory_space<vmem>> -> memref<1x128x40xf32, #tpu.memory_space<vmem>>
      %dma_wait3A_761 = tpu.memref_squeeze %dma_wait3A_760 : memref<1x128x40xf32, #tpu.memory_space<vmem>> -> memref<128x40xf32, #tpu.memory_space<vmem>>
      %dma_wait3A_762 = arith.constant 0 : i32
      %dma_wait3A_763 = tpu.memref_slice %arg4[%mul3A_564, %dma_wait3A_762] : memref<800000x40xf32, #tpu.memory_space<hbm>> -> memref<128x40xf32, #tpu.memory_space<hbm>>
      %dma_wait3A_764 = arith.constant 0 : i32
      %dma_wait3A_765 = tpu.memref_slice %arg4[%mul3A_564, %dma_wait3A_764] : memref<800000x40xf32, #tpu.memory_space<hbm>> -> memref<128x40xf32, #tpu.memory_space<hbm>>
      %dma_wait3A_766 = arith.constant 0 : i32
      %dma_wait3A_767 = arith.constant 0 : i32
      %dma_wait3A_768 = tpu.memref_slice %arg6[%dma_wait3A_757, %dma_wait3A_766, %dma_wait3A_767] : memref<14x128x40xf32, #tpu.memory_space<vmem>> -> memref<1x128x40xf32, #tpu.memory_space<vmem>>
      %dma_wait3A_769 = tpu.memref_squeeze %dma_wait3A_768 : memref<1x128x40xf32, #tpu.memory_space<vmem>> -> memref<128x40xf32, #tpu.memory_space<vmem>>
      tpu.wait_dma2 semaphore(%arg8 : memref<!tpu.dma_semaphore, #tpu.memory_space<semaphore_mem>>) src(%dma_wait3A_769 : memref<128x40xf32, #tpu.memory_space<vmem>>) dst(%dma_wait3A_765 : memref<128x40xf32, #tpu.memory_space<hbm>>)
      %dma_wait3A_770 = arith.constant 12 : i32
      %dma_wait3A_771 = arith.constant 0 : i32
      %dma_wait3A_772 = arith.constant 0 : i32
      %dma_wait3A_773 = tpu.memref_slice %arg6[%dma_wait3A_770, %dma_wait3A_771, %dma_wait3A_772] : memref<14x128x40xf32, #tpu.memory_space<vmem>> -> memref<1x128x40xf32, #tpu.memory_space<vmem>>
      %dma_wait3A_774 = tpu.memref_squeeze %dma_wait3A_773 : memref<1x128x40xf32, #tpu.memory_space<vmem>> -> memref<128x40xf32, #tpu.memory_space<vmem>>
      %dma_wait3A_775 = arith.constant 0 : i32
      %dma_wait3A_776 = tpu.memref_slice %arg4[%mul3A_582, %dma_wait3A_775] : memref<800000x40xf32, #tpu.memory_space<hbm>> -> memref<128x40xf32, #tpu.memory_space<hbm>>
      %dma_wait3A_777 = arith.constant 0 : i32
      %dma_wait3A_778 = tpu.memref_slice %arg4[%mul3A_582, %dma_wait3A_777] : memref<800000x40xf32, #tpu.memory_space<hbm>> -> memref<128x40xf32, #tpu.memory_space<hbm>>
      %dma_wait3A_779 = arith.constant 0 : i32
      %dma_wait3A_780 = arith.constant 0 : i32
      %dma_wait3A_781 = tpu.memref_slice %arg6[%dma_wait3A_770, %dma_wait3A_779, %dma_wait3A_780] : memref<14x128x40xf32, #tpu.memory_space<vmem>> -> memref<1x128x40xf32, #tpu.memory_space<vmem>>
      %dma_wait3A_782 = tpu.memref_squeeze %dma_wait3A_781 : memref<1x128x40xf32, #tpu.memory_space<vmem>> -> memref<128x40xf32, #tpu.memory_space<vmem>>
      tpu.wait_dma2 semaphore(%arg8 : memref<!tpu.dma_semaphore, #tpu.memory_space<semaphore_mem>>) src(%dma_wait3A_782 : memref<128x40xf32, #tpu.memory_space<vmem>>) dst(%dma_wait3A_778 : memref<128x40xf32, #tpu.memory_space<hbm>>)
      %dma_wait3A_783 = arith.constant 13 : i32
      %dma_wait3A_784 = arith.constant 0 : i32
      %dma_wait3A_785 = arith.constant 0 : i32
      %dma_wait3A_786 = tpu.memref_slice %arg6[%dma_wait3A_783, %dma_wait3A_784, %dma_wait3A_785] : memref<14x128x40xf32, #tpu.memory_space<vmem>> -> memref<1x128x40xf32, #tpu.memory_space<vmem>>
      %dma_wait3A_787 = tpu.memref_squeeze %dma_wait3A_786 : memref<1x128x40xf32, #tpu.memory_space<vmem>> -> memref<128x40xf32, #tpu.memory_space<vmem>>
      %dma_wait3A_788 = arith.constant 0 : i32
      %dma_wait3A_789 = tpu.memref_slice %arg4[%mul3A_600, %dma_wait3A_788] : memref<800000x40xf32, #tpu.memory_space<hbm>> -> memref<128x40xf32, #tpu.memory_space<hbm>>
      %dma_wait3A_790 = arith.constant 0 : i32
      %dma_wait3A_791 = tpu.memref_slice %arg4[%mul3A_600, %dma_wait3A_790] : memref<800000x40xf32, #tpu.memory_space<hbm>> -> memref<128x40xf32, #tpu.memory_space<hbm>>
      %dma_wait3A_792 = arith.constant 0 : i32
      %dma_wait3A_793 = arith.constant 0 : i32
      %dma_wait3A_794 = tpu.memref_slice %arg6[%dma_wait3A_783, %dma_wait3A_792, %dma_wait3A_793] : memref<14x128x40xf32, #tpu.memory_space<vmem>> -> memref<1x128x40xf32, #tpu.memory_space<vmem>>
      %dma_wait3A_795 = tpu.memref_squeeze %dma_wait3A_794 : memref<1x128x40xf32, #tpu.memory_space<vmem>> -> memref<128x40xf32, #tpu.memory_space<vmem>>
      tpu.wait_dma2 semaphore(%arg8 : memref<!tpu.dma_semaphore, #tpu.memory_space<semaphore_mem>>) src(%dma_wait3A_795 : memref<128x40xf32, #tpu.memory_space<vmem>>) dst(%dma_wait3A_791 : memref<128x40xf32, #tpu.memory_space<hbm>>)
    }
    %scan3A_24 = arith.constant 14 : i32
    return
  }
}

</mosaic_0001>

<sc_bundles>
// kernel: kernel.3.cloned.1.call-start
scs
__scs_entry_jumppad:
0x0: {  	(pc) =	sbr.rel $0x88, $3  }
0x1: {  	(tag) =	ssettag $0x0;
	lr =	simm.s32 $0x1  }
0x2: {  	[smem:$0x3F9F] =	sst lr;
	_ =	strace $0xD0000000  }
0x3: {  	_ = 	snop  }
0x4: {  	_ = 	snop  }
0x5: {  	_ = 	snop  }
0x6: {  	_ = 	snop  }
0x7: {  	_ = 	snop  }
__scs_overlays_trampoline_lowered:
0x8: {  	[smem:$0x3FAE] =	sst s0  }
0x9: {  	[smem:$0x3FAF] =	sst s1  }
0xa: {  	[smem:$0x3FB0] =	sst s2  }
0xb: {  	[smem:$0x3FB1] =	sst s3  }
0xc: {  	[smem:$0x3FB2] =	sst s4  }
0xd: {  	[smem:$0x3FB3] =	sst s5  }
0xe: {  	[smem:$0x3FB4] =	sst s6  }
0xf: {  	[smem:$0x3FB5] =	sst s7  }
0x10: {  	[smem:$0x3FB6] =	sst s8  }
0x11: {  	[smem:$0x3FB7] =	sst s9;
	s0 =	simm.s32 @!p0 $0x0  }
0x12: {  	s1 =	sld [smem:$0x3F9D];
	s0 =	simm.s32 @p0 $0x1  }
0x13: {  	[smem:$0x3FB8] =	sst s0;
	s0 =	simm.s32 @!p1 $0x0  }
0x14: {  	s2 =	sld [smem:$0x3F9C];
	s0 =	simm.s32 @p1 $0x1  }
0x15: {  	[smem:$0x3FB9] =	sst s0;
	s0 =	simm.s32 @!p2 $0x0  }
0x16: {  	s3 =	sld [smem:$0x3FDB];
	s0 =	simm.s32 @p2 $0x1  }
0x17: {  	s4 =	simm.s32 $0x1BF5;
	[smem:$0x3FBB] =	sst s0  }
0x18: {  	s0 =	sld [smem:$0x3F9E];
	_ =	swait.ge [sflag:s4], $0x0  }
0x19: {  	s7 =	sld [smem:$0x3F9F]  }
0x1a: {  	s8 =	sadd.s32 $0xFFFFE003, lr  }
0x1b: {  	s9 =	sadd.s32 $0xFFFFFEF7, lr;
	s5 =	simm.s32 $0xFFFFFFFF;
	p2 =	slt.u32 s8, $0xFFFFF086  }
0x1c: {  	p1 =	slt.u32 s9, $0xF7A;
	s5 =	simm.s32 @!p2 $0x0  }
0x1d: {  	s5 =	simm.s32 @p1 $0x1;
	p0 =	seq.s32 s7, s2  }
0x1e: {  	s7 =	smul.u32 @!p0 $0xF7A, s2;
	p2 =	seq.s32 @!p0 s5, $0x0  }
0x1f: {  	s9 =	smul.u32 $0xF7A, s1;
	s8 =	simm.s32 @!p0 $0x1BF5;
	p2 =	por !p2, p0  }
0x20: {  	[sflag:s8] =	ssyncset.s32 @!p0 $0xFFFFF086;
	s6 =	sadd.s32 @!p0 s3, s7;
	s7 =	simm.s32 @!p0 $0x108  }
0x21: {  	s3 =	sadd.s32 s3, s9;
	s6 =	sadd.s32 @!p0 $0x88, s6;
	s7 =	simm.s32 @p2 $0x1082  }
0x22: {  	[simem:s7], [sflag:s8] =	dma.local @!p0 [hbm:s6], $0xF7A  }
0x23: {  	s9 =	sor.u32 $0xD0000000, s2;
	s6 =	simm.s32 $0x108;
	_ =	swait.ge @!p0 [sflag:s8], $0x0  }
0x24: {  	s3 =	sadd.s32 $0x88, s3;
	s6 =	simm.s32 @!p1 $0x1082;
	[sflag:s4] =	ssyncset.s32 $0xFFFFF086  }
0x25: {  	[simem:s6], [sflag:s4] =	dma.local [hbm:s3], $0xF7A  }
0x26: {  	[smem:$0x3F9F] =	sst s1;
	(tag) =	ssettag s2;
	_ =	strace s9  }
0x27: {  	s1 =	sld [smem:$0x3FAF]  }
0x28: {  	s2 =	sld [smem:$0x3FB0]  }
0x29: {  	s4 =	sld [smem:$0x3FB2]  }
0x2a: {  	p0 =	seq.s32 s5, $0x0;
	s5 =	sld [smem:$0x3FB3]  }
0x2b: {  	s6 =	sld [smem:$0x3FB4]  }
0x2c: {  	s7 =	sld [smem:$0x3FB5]  }
0x2d: {  	s3 =	simm.s32 $0x108;
	s8 =	sld [smem:$0x3FB6]  }
0x2e: {  	s3 =	simm.s32 @!p0 $0x1082;
	s9 =	sld [smem:$0x3FB7]  }
0x2f: {  	lr =	sadd.s32 s0, s3;
	s0 =	sld [smem:$0x3FAE]  }
0x30: {  	s3 =	sld [smem:$0x3FB1]  }
0x31: {  	[smem:$0x3FBA] =	sst s10  }
0x32: {  	s10 =	sld [smem:$0x3FB8];
	_ =	sdelay $0x3  }
0x33: {  	p0 =	seq.s32 s10, $0x1;
	s10 =	sld [smem:$0x3FBA];
	_ =	sdelay $0x3  }
0x34: {  	[smem:$0x3FBA] =	sst s10  }
0x35: {  	s10 =	sld [smem:$0x3FB9];
	_ =	sdelay $0x3  }
0x36: {  	p1 =	seq.s32 s10, $0x1;
	s10 =	sld [smem:$0x3FBA];
	_ =	sdelay $0x3  }
0x37: {  	[smem:$0x3FBA] =	sst s10  }
0x38: {  	s10 =	sld [smem:$0x3FBB]  }
0x39: {  	_ = 	snop;
	(pc) =	sbr.ind lr, $3  }
0x3a: {  	_ = 	snop  }
0x3b: {  	_ = 	snop  }
0x3c: {  	p2 =	seq.s32 s10, $0x1;
	s10 =	sld [smem:$0x3FBA]  }
0x3d: {  	_ =	shalt  }
0x3e: {  	_ =	shalt  }
0x3f: {  	_ =	shalt  }
0x40: {  	_ =	shalt  }
0x41: {  	_ =	shalt  }
0x42: {  	_ =	shalt  }
0x43: {  	_ =	shalt  }
0x44: {  	_ =	shalt  }
0x45: {  	_ =	shalt  }
0x46: {  	_ =	shalt  }
0x47: {  	_ =	shalt  }
0x48: {  	_ =	shalt  }
0x49: {  	_ =	shalt  }
0x4a: {  	_ =	shalt  }
0x4b: {  	_ =	shalt  }
0x4c: {  	_ =	shalt  }
0x4d: {  	_ =	shalt  }
0x4e: {  	_ =	shalt  }
0x4f: {  	_ =	shalt  }
0x50: {  	_ =	shalt  }
0x51: {  	_ =	shalt  }
0x52: {  	_ =	shalt  }
0x53: {  	_ =	shalt  }
0x54: {  	_ =	shalt  }
0x55: {  	_ =	shalt  }
0x56: {  	_ =	shalt  }
0x57: {  	_ =	shalt  }
0x58: {  	_ =	shalt  }
0x59: {  	_ =	shalt  }
0x5a: {  	_ =	shalt  }
0x5b: {  	_ =	shalt  }
0x5c: {  	_ =	shalt  }
0x5d: {  	_ =	shalt  }
0x5e: {  	_ =	shalt  }
0x5f: {  	_ =	shalt  }
0x60: {  	_ =	shalt  }
0x61: {  	_ =	shalt  }
0x62: {  	_ =	shalt  }
0x63: {  	_ =	shalt  }
0x64: {  	_ =	shalt  }
0x65: {  	_ =	shalt  }
0x66: {  	_ =	shalt  }
0x67: {  	_ =	shalt  }
0x68: {  	_ =	shalt  }
0x69: {  	_ =	shalt  }
0x6a: {  	_ =	shalt  }
0x6b: {  	_ =	shalt  }
0x6c: {  	_ =	shalt  }
0x6d: {  	_ =	shalt  }
0x6e: {  	_ =	shalt  }
0x6f: {  	_ =	shalt  }
0x70: {  	_ =	shalt  }
0x71: {  	_ =	shalt  }
0x72: {  	_ =	shalt  }
0x73: {  	_ =	shalt  }
0x74: {  	_ =	shalt  }
0x75: {  	_ =	shalt  }
0x76: {  	_ =	shalt  }
0x77: {  	_ =	shalt  }
0x78: {  	_ =	shalt  }
0x79: {  	_ =	shalt  }
0x7a: {  	_ =	shalt  }
0x7b: {  	_ =	shalt  }
0x7c: {  	_ =	shalt  }
0x7d: {  	_ =	shalt  }
0x7e: {  	_ =	shalt  }
0x7f: {  	_ =	shalt  }
0x80: {  	_ =	shalt  }
0x81: {  	_ =	shalt  }
0x82: {  	_ =	shalt  }
0x83: {  	_ =	shalt  }
0x84: {  	_ =	shalt  }
0x85: {  	_ =	shalt  }
0x86: {  	_ =	shalt  }
0x87: {  	_ =	shalt  }
.Lfunc_end0:
.L_simem_size_0:
called_computation.1_lowered:
.L_overlay_start_0:
0x88: {  	s2 =	sld [smem:$0x3FD9]  }
0x89: {  	s3 =	sld [smem:$0x3FFE];
	_ =	sdelay $0x1  }
0x8a: {  	s1 =	srdreg.scid  }
0x8b: {  	s0 =	sand.u32 $0x1, s1  }
0x8c: {  	s17 =	sshll.u32 s0, $0xA;
	s2 =	sadd.s32 s3, s2  }
0x8d: {  	s2 =	sadd.s32 s2, s17  }
0x8e: {  	[smem:$0x3FC6] =	sst s2  }
0x8f: {  	_ = 	snop  }
0x90: {  	s2 =	sld [smem:$0x3FC9]  }
0x91: {  	s18 =	sld [smem:$0x3FD0];
	(tm) =	ssettm $0x1  }
0x92: {  	s4 =	sld [smem:$0x3FFB];
	_ =	sdelay $0x3  }
0x93: {  	_ =	strace s4  }
0x94: {  	s4 =	sld [smem:$0x3FFC];
	_ =	sdelay $0x3  }
0x95: {  	_ =	strace s4  }
0x96: {  	s4 =	sld [smem:$0x3FFD];
	_ =	sdelay $0x3  }
0x97: {  	_ =	strace s4  }
0x98: {  	_ =	strace $0x8FFFFFFF  }
0x99: {  	s19 =	sld [smem:$0x3FDB];
	_ =	sdelay $0x1  }
0x9a: {  	s5 =	simm.s32 $_scs_section_size  }
0x9b: {  	s6 =	simm.s32 $_size__tile_overlayer_lowered;
	s7 =	simm.s32 $_tile_overlayer_lowered  }
0x9c: {  	s22 =	simm.s32 $0x1BFF;
	s21 =	sshll.u32 s7, $0x1;
	s4 =	sadd.s32 s5, s19  }
0x9d: {  	s8 =	simm.s32 $0x0;
	s20 =	sshll.u32 s6, $0x1;
	s6 =	sadd.s32 s21, s4  }
0x9e: {  	[timem:s8], [sflag:s22] =	dma.local [hbm:s6], s20  }
0x9f: {  	_ =	swait.ge [sflag:s22], s20  }
0xa0: {  	s5 =	ssub.s32 $0x0, s20;
	[sflag:s22] =	ssyncset.done $0x0  }
0xa1: {  	[sflag:s22] =	ssyncadd.s32 s5;
	_ =	sdelay $0x1  }
0xa2: {  	s23 =	simm.s32 $0x1B8B  }
0xa3: {  	_ =	swait.ge [sflag:s23], $0x1  }
0xa4: {  	[sflag:s23] =	ssyncset.done $0x0  }
0xa5: {  	s25 =	simm.s32 $0x1B8E;
	s24 =	sld [smem:$0x3FFE];
	[sflag:s23] =	ssyncadd.s32 $0xFFFFFFFF  }
0xa6: {  	s26 =	simm.s32 $execute0_lowered;
	[smem:$0x3FD2] =	sst s25  }
0xa7: {  	s6 =	sshll.u32 s26, $0x1;
	_ =	strace $0x80000046;
	[dreg:$0x1] =	wrdreg $0xFFFFFFFF  }
0xa8: {  	s28 =	simm.s32 $_size_execute0_lowered;
	s4 =	sadd.s32 s4, s6;
	[dreg:$0x0] =	wrdreg $0x0  }
0xa9: {  	s6 =	sshll.u32 s28, $0x1;
	[dreg:$0x2] =	wrdreg s4  }
0xaa: {  	[dreg:$0x3] =	wrdreg s6  }
0xab: {  	[dreg:$0x4] =	wrdreg $0xC0  }
0xac: {  	_ =	task [dreg:s8], $0x5FFFF  }
0xad: {  	[dreg:$0x1] =	wrdreg $0xFFFFFFFF  }
0xae: {  	[dreg:$0x0] =	wrdreg $0x60  }
0xaf: {  	[dreg:$0x2] =	wrdreg s2  }
0xb0: {  	[dreg:$0x3] =	wrdreg s24  }
0xb1: {  	[dreg:$0x4] =	wrdreg s18  }
0xb2: {  	[dreg:$0x5] =	wrdreg $0x9  }
0xb3: {  	_ =	task.clear_ibuf [dreg:s8], $0x6FFFF;
	_ =	strace $0x90000046  }
0xb4: {  	s29 =	simm.s32 $0x9;
	_ =	strace $0x80000048  }
0xb5: {  	_ =	swait.ge [sflag:s29], $0x1  }
0xb6: {  	[sflag:s29] =	ssyncadd.s32 $0xFFFFFFFF  }
0xb7: {  	_ =	strace $0x90000048  }
0xb8: {  	_ =	sfence  }
0xb9: {  	s30 =	sld [smem:$0x0];
	_ =	sdelay $0x2  }
0xba: {  	s31 =	sshll.u32 s1, $0xD;
	s1 =	sshrl.u32 s1, $0x2  }
0xbb: {  	s3 =	sand.u32 $0x4000, s31;
	s1 =	sadd.s32 s1, s30  }
0xbc: {  	s0 =	sor.u32 s3, s0;
	s1 =	sshll.u32 s1, $0x11  }
0xbd: {  	s0 =	sor.u32 s1, s0  }
0xbe: {  	s0 =	sadd.s32 $0x8F2B, s0  }
0xbf: {  	[sflag:s0] =	ssyncadd.remote.s32 $0x1  }
0xc0: {  	_ =	sfence.sel $0xFFFF  }
0xc1: {  	[dreg:$0x0] =	wrdreg $0xFFFFFFFF;
	(pc) =	sbr.abs _section_cstart, $3  }
0xc2: {  	[dreg:$0x1] =	wrdreg $0xFFFFFFFF  }
0xc3: {  	_ =	task.clear_ibuf [dreg:s8], $0x2FFFF;
	_ =	strace $0x9FFFFFFF  }
0xc4: {  	(tm) =	ssettm $0x7FFFFFFF  }
0xc5: {  	_ =	shalt  }
tec
execute0_lowered:
.L_overlay_start_1:
0x0: {  	(tag) =	ssettag $0x1  }
0x1: {  	s4 =	rddreg [dreg:$0x0]  }
0x2: {  	s3 =	rddreg [dreg:$0x1]  }
0x3: {  	s6 =	rddreg [dreg:$0x2]  }
0x4: {  	s0 =	rddreg [dreg:$0x3]  }
0x5: {  	s2 =	srdreg.scid;
	s1 =	stileid.u32;
	s10 =	simm.s32 $0x7600  }
0x6: {  	s11 =	simm.s32 $0x8A00;
	s12 =	simm.s32 $0x9E00;
	s13 =	simm.s32 $0xB200  }
0x7: {  	s14 =	simm.s32 $0xC600;
	s15 =	simm.s32 $0xDA00;
	s16 =	simm.s32 $0xEE00  }
0x8: {  	s17 =	simm.s32 $0x10200;
	s18 =	simm.s32 $0x11600;
	s19 =	simm.s32 $0x12A00  }
0x9: {  	s20 =	simm.s32 $0x13E00;
	s21 =	simm.s32 $0x15200;
	s22 =	simm.s32 $0x16600  }
0xa: {  	s23 =	simm.s32 $0x1;
	s24 =	simm.s32 $0x2;
	s25 =	simm.s32 $0x0  }
0xb: {  	s5 =	sand.u32 $0x1, s2;
	s7 =	sshll.u32 s1, $0x1;
	s8 =	smul.u32 $0x30D4, s1  }
0xc: {  	s2 =	simm.s32 $0x0;
	s7 =	sor.u32 s5, s7;
	s9 =	smul.u32 $0x186A, s5  }
0xd: {  	s3 =	sadd.s32 $0x800, s3;
	[smem:$0x7FF] =	sst s2;
	s7 =	smul.u32 $0x186A, s7  }
0xe: {  	s5 =	ssub.s32 $0x2, s5;
	_ =	strace $0x80000047;
	s8 =	sadd.s32 s9, s8  }
0xf: {  	s31 =	sshrl.u32 s5, $0x1;
	s7 =	sshrl.u32 s7, $0x1;
	s8 =	sshrl.u32 s8, $0x5  }
0x10: {  	s5 =	ssub.s32 s5, s31;
	s7 =	sand.u32 $0x1FFF0, s7;
	s8 =	smul.u32 $0x280, s8  }
0x11: {  	s9 =	simm.s32 $0x6200;
	s5 =	smax.u32 s5, $0x1;
	s4 =	sadd.s32 s4, s7  }
0x12: {  	s7 =	simm.s32 $0x3;
	s6 =	sadd.s32 s8, s6;
	s8 =	simm.s32 $0x80  }
.LBB2_1:
0x13: {  	[tilespmem:s2], [sflag:$0x3] =	stream.linear.gather [hbm4b:s4+s2], $0x6200, $0x38;
	[tilespmem:$0x17A00] =	vst v63  }
0x14: {  	_ =	swait.ge [sflag:s7], $0x6200  }
0x15: {  	[sflag:s7] =	ssyncset.done $0x0  }
0x16: {  	s26 =	simm.s32 $0x0;
	[sflag:s7] =	ssyncadd.s32 $0xFFFF9E00  }
0x17: {  	[tilespmem:s9], [sflag:$0x1] =	stream.indirect.gather [hbm4b:s3+s8], $0x28, s26, s8, $0xb8;
	[tilespmem:$0x17A00] =	vst v63  }
0x18: {  	s29 =	simm.s32 $0x80  }
0x19: {  	[tilespmem:s10], [sflag:$0x1] =	stream.indirect.gather [hbm4b:s3+s8], $0x28, s29, s8, $0xb8;
	[tilespmem:$0x17A00] =	vst v63  }
0x1a: {  	s31 =	simm.s32 $0x100  }
0x1b: {  	[tilespmem:s11], [sflag:$0x1] =	stream.indirect.gather [hbm4b:s3+s8], $0x28, s31, s8, $0xb8;
	[tilespmem:$0x17A00] =	vst v63  }
0x1c: {  	s29 =	simm.s32 $0x180  }
0x1d: {  	[tilespmem:s12], [sflag:$0x1] =	stream.indirect.gather [hbm4b:s3+s8], $0x28, s29, s8, $0xb8;
	[tilespmem:$0x17A00] =	vst v63  }
0x1e: {  	s31 =	simm.s32 $0x200  }
0x1f: {  	[tilespmem:s13], [sflag:$0x1] =	stream.indirect.gather [hbm4b:s3+s8], $0x28, s31, s8, $0xb8;
	[tilespmem:$0x17A00] =	vst v63  }
0x20: {  	s29 =	simm.s32 $0x280  }
0x21: {  	[tilespmem:s14], [sflag:$0x1] =	stream.indirect.gather [hbm4b:s3+s8], $0x28, s29, s8, $0xb8;
	[tilespmem:$0x17A00] =	vst v63  }
0x22: {  	s31 =	simm.s32 $0x300  }
0x23: {  	[tilespmem:s15], [sflag:$0x1] =	stream.indirect.gather [hbm4b:s3+s8], $0x28, s31, s8, $0xb8;
	[tilespmem:$0x17A00] =	vst v63  }
0x24: {  	s29 =	simm.s32 $0x380  }
0x25: {  	[tilespmem:s16], [sflag:$0x1] =	stream.indirect.gather [hbm4b:s3+s8], $0x28, s29, s8, $0xb8;
	[tilespmem:$0x17A00] =	vst v63  }
0x26: {  	s31 =	simm.s32 $0x400  }
0x27: {  	[tilespmem:s17], [sflag:$0x1] =	stream.indirect.gather [hbm4b:s3+s8], $0x28, s31, s8, $0xb8;
	[tilespmem:$0x17A00] =	vst v63  }
0x28: {  	s29 =	simm.s32 $0x480  }
0x29: {  	[tilespmem:s18], [sflag:$0x1] =	stream.indirect.gather [hbm4b:s3+s8], $0x28, s29, s8, $0xb8;
	[tilespmem:$0x17A00] =	vst v63  }
0x2a: {  	s31 =	simm.s32 $0x500  }
0x2b: {  	[tilespmem:s19], [sflag:$0x1] =	stream.indirect.gather [hbm4b:s3+s8], $0x28, s31, s8, $0xb8;
	[tilespmem:$0x17A00] =	vst v63  }
0x2c: {  	s29 =	simm.s32 $0x580  }
0x2d: {  	[tilespmem:s20], [sflag:$0x1] =	stream.indirect.gather [hbm4b:s3+s8], $0x28, s29, s8, $0xb8;
	[tilespmem:$0x17A00] =	vst v63  }
0x2e: {  	s31 =	simm.s32 $0x600  }
0x2f: {  	[tilespmem:s21], [sflag:$0x1] =	stream.indirect.gather [hbm4b:s3+s8], $0x28, s31, s8, $0xb8;
	[tilespmem:$0x17A00] =	vst v63  }
0x30: {  	s29 =	simm.s32 $0x680  }
0x31: {  	[tilespmem:s22], [sflag:$0x1] =	stream.indirect.gather [hbm4b:s3+s8], $0x28, s29, s8, $0xb8;
	[tilespmem:$0x17A00] =	vst v63  }
0x32: {  	_ =	swait.ge [sflag:s23], $0x1400  }
0x33: {  	[sflag:s23] =	ssyncset.done $0x0  }
0x34: {  	[sflag:s23] =	ssyncadd.s32 $0xFFFFEC00  }
0x35: {  	_ =	swait.ge [sflag:s23], $0x1400  }
0x36: {  	[sflag:s23] =	ssyncset.done $0x0  }
0x37: {  	[sflag:s23] =	ssyncadd.s32 $0xFFFFEC00  }
0x38: {  	_ =	swait.ge [sflag:s23], $0x1400  }
0x39: {  	[sflag:s23] =	ssyncset.done $0x0  }
0x3a: {  	[sflag:s23] =	ssyncadd.s32 $0xFFFFEC00  }
0x3b: {  	_ =	swait.ge [sflag:s23], $0x1400  }
0x3c: {  	[sflag:s23] =	ssyncset.done $0x0  }
0x3d: {  	[sflag:s23] =	ssyncadd.s32 $0xFFFFEC00  }
0x3e: {  	_ =	swait.ge [sflag:s23], $0x1400  }
0x3f: {  	[sflag:s23] =	ssyncset.done $0x0  }
0x40: {  	[sflag:s23] =	ssyncadd.s32 $0xFFFFEC00  }
0x41: {  	_ =	swait.ge [sflag:s23], $0x1400  }
0x42: {  	[sflag:s23] =	ssyncset.done $0x0  }
0x43: {  	[sflag:s23] =	ssyncadd.s32 $0xFFFFEC00  }
0x44: {  	_ =	swait.ge [sflag:s23], $0x1400  }
0x45: {  	[sflag:s23] =	ssyncset.done $0x0  }
0x46: {  	[sflag:s23] =	ssyncadd.s32 $0xFFFFEC00  }
0x47: {  	_ =	swait.ge [sflag:s23], $0x1400  }
0x48: {  	[sflag:s23] =	ssyncset.done $0x0  }
0x49: {  	[sflag:s23] =	ssyncadd.s32 $0xFFFFEC00  }
0x4a: {  	_ =	swait.ge [sflag:s23], $0x1400  }
0x4b: {  	[sflag:s23] =	ssyncset.done $0x0  }
0x4c: {  	[sflag:s23] =	ssyncadd.s32 $0xFFFFEC00  }
0x4d: {  	_ =	swait.ge [sflag:s23], $0x1400  }
0x4e: {  	[sflag:s23] =	ssyncset.done $0x0  }
0x4f: {  	[sflag:s23] =	ssyncadd.s32 $0xFFFFEC00  }
0x50: {  	_ =	swait.ge [sflag:s23], $0x1400  }
0x51: {  	[sflag:s23] =	ssyncset.done $0x0  }
0x52: {  	[sflag:s23] =	ssyncadd.s32 $0xFFFFEC00  }
0x53: {  	_ =	swait.ge [sflag:s23], $0x1400  }
0x54: {  	[sflag:s23] =	ssyncset.done $0x0  }
0x55: {  	[sflag:s23] =	ssyncadd.s32 $0xFFFFEC00  }
0x56: {  	_ =	swait.ge [sflag:s23], $0x1400  }
0x57: {  	[sflag:s23] =	ssyncset.done $0x0  }
0x58: {  	[sflag:s23] =	ssyncadd.s32 $0xFFFFEC00  }
0x59: {  	_ =	swait.ge [sflag:s23], $0x1400  }
0x5a: {  	[sflag:s23] =	ssyncset.done $0x0  }
0x5b: {  	[sflag:s23] =	ssyncadd.s32 $0xFFFFEC00  }
0x5c: {  	[hbm4b:s6+s2] =	stream.linear.scatter [tilespmem:s9], [sflag:$0x2], $0x1400, $0x38;
	[tilespmem:$0x17A00] =	vst v63  }
0x5d: {  	s31 =	sadd.s32 $0x280, s6  }
0x5e: {  	[hbm4b:s31+s2] =	stream.linear.scatter [tilespmem:s10], [sflag:$0x2], $0x1400, $0x38;
	[tilespmem:$0x17A00] =	vst v63  }
0x5f: {  	s29 =	sadd.s32 $0x500, s6  }
0x60: {  	[hbm4b:s29+s2] =	stream.linear.scatter [tilespmem:s11], [sflag:$0x2], $0x1400, $0x38;
	[tilespmem:$0x17A00] =	vst v63  }
0x61: {  	s31 =	sadd.s32 $0x780, s6  }
0x62: {  	[hbm4b:s31+s2] =	stream.linear.scatter [tilespmem:s12], [sflag:$0x2], $0x1400, $0x38;
	[tilespmem:$0x17A00] =	vst v63  }
0x63: {  	s29 =	sadd.s32 $0xA00, s6  }
0x64: {  	[hbm4b:s29+s2] =	stream.linear.scatter [tilespmem:s13], [sflag:$0x2], $0x1400, $0x38;
	[tilespmem:$0x17A00] =	vst v63  }
0x65: {  	s31 =	sadd.s32 $0xC80, s6  }
0x66: {  	[hbm4b:s31+s2] =	stream.linear.scatter [tilespmem:s14], [sflag:$0x2], $0x1400, $0x38;
	[tilespmem:$0x17A00] =	vst v63  }
0x67: {  	s29 =	sadd.s32 $0xF00, s6  }
0x68: {  	[hbm4b:s29+s2] =	stream.linear.scatter [tilespmem:s15], [sflag:$0x2], $0x1400, $0x38;
	[tilespmem:$0x17A00] =	vst v63  }
0x69: {  	s31 =	sadd.s32 $0x1180, s6  }
0x6a: {  	[hbm4b:s31+s2] =	stream.linear.scatter [tilespmem:s16], [sflag:$0x2], $0x1400, $0x38;
	[tilespmem:$0x17A00] =	vst v63  }
0x6b: {  	s29 =	sadd.s32 $0x1400, s6  }
0x6c: {  	[hbm4b:s29+s2] =	stream.linear.scatter [tilespmem:s17], [sflag:$0x2], $0x1400, $0x38;
	[tilespmem:$0x17A00] =	vst v63  }
0x6d: {  	s31 =	sadd.s32 $0x1680, s6  }
0x6e: {  	[hbm4b:s31+s2] =	stream.linear.scatter [tilespmem:s18], [sflag:$0x2], $0x1400, $0x38;
	[tilespmem:$0x17A00] =	vst v63  }
0x6f: {  	s29 =	sadd.s32 $0x1900, s6  }
0x70: {  	[hbm4b:s29+s2] =	stream.linear.scatter [tilespmem:s19], [sflag:$0x2], $0x1400, $0x38;
	[tilespmem:$0x17A00] =	vst v63  }
0x71: {  	s31 =	sadd.s32 $0x1B80, s6  }
0x72: {  	[hbm4b:s31+s2] =	stream.linear.scatter [tilespmem:s20], [sflag:$0x2], $0x1400, $0x38;
	[tilespmem:$0x17A00] =	vst v63  }
0x73: {  	s29 =	sadd.s32 $0x1E00, s6  }
0x74: {  	[hbm4b:s29+s2] =	stream.linear.scatter [tilespmem:s21], [sflag:$0x2], $0x1400, $0x38;
	[tilespmem:$0x17A00] =	vst v63  }
0x75: {  	s31 =	sadd.s32 $0x2080, s6  }
0x76: {  	[hbm4b:s31+s2] =	stream.linear.scatter [tilespmem:s22], [sflag:$0x2], $0x1400, $0x38;
	[tilespmem:$0x17A00] =	vst v63  }
0x77: {  	_ =	swait.ge [sflag:s24], $0x1400  }
0x78: {  	[sflag:s24] =	ssyncset.done $0x0  }
0x79: {  	[sflag:s24] =	ssyncadd.s32 $0xFFFFEC00  }
0x7a: {  	_ =	swait.ge [sflag:s24], $0x1400  }
0x7b: {  	[sflag:s24] =	ssyncset.done $0x0  }
0x7c: {  	[sflag:s24] =	ssyncadd.s32 $0xFFFFEC00  }
0x7d: {  	_ =	swait.ge [sflag:s24], $0x1400  }
0x7e: {  	[sflag:s24] =	ssyncset.done $0x0  }
0x7f: {  	[sflag:s24] =	ssyncadd.s32 $0xFFFFEC00  }
0x80: {  	_ =	swait.ge [sflag:s24], $0x1400  }
0x81: {  	[sflag:s24] =	ssyncset.done $0x0  }
0x82: {  	[sflag:s24] =	ssyncadd.s32 $0xFFFFEC00  }
0x83: {  	_ =	swait.ge [sflag:s24], $0x1400  }
0x84: {  	[sflag:s24] =	ssyncset.done $0x0  }
0x85: {  	[sflag:s24] =	ssyncadd.s32 $0xFFFFEC00  }
0x86: {  	_ =	swait.ge [sflag:s24], $0x1400  }
0x87: {  	[sflag:s24] =	ssyncset.done $0x0  }
0x88: {  	[sflag:s24] =	ssyncadd.s32 $0xFFFFEC00  }
0x89: {  	_ =	swait.ge [sflag:s24], $0x1400  }
0x8a: {  	[sflag:s24] =	ssyncset.done $0x0  }
0x8b: {  	[sflag:s24] =	ssyncadd.s32 $0xFFFFEC00  }
0x8c: {  	_ =	swait.ge [sflag:s24], $0x1400  }
0x8d: {  	[sflag:s24] =	ssyncset.done $0x0  }
0x8e: {  	[sflag:s24] =	ssyncadd.s32 $0xFFFFEC00  }
0x8f: {  	_ =	swait.ge [sflag:s24], $0x1400  }
0x90: {  	[sflag:s24] =	ssyncset.done $0x0  }
0x91: {  	[sflag:s24] =	ssyncadd.s32 $0xFFFFEC00  }
0x92: {  	_ =	swait.ge [sflag:s24], $0x1400  }
0x93: {  	[sflag:s24] =	ssyncset.done $0x0  }
0x94: {  	[sflag:s24] =	ssyncadd.s32 $0xFFFFEC00  }
0x95: {  	_ =	swait.ge [sflag:s24], $0x1400  }
0x96: {  	[sflag:s24] =	ssyncset.done $0x0  }
0x97: {  	[sflag:s24] =	ssyncadd.s32 $0xFFFFEC00  }
0x98: {  	_ =	swait.ge [sflag:s24], $0x1400  }
0x99: {  	[sflag:s24] =	ssyncset.done $0x0  }
0x9a: {  	[sflag:s24] =	ssyncadd.s32 $0xFFFFEC00  }
0x9b: {  	_ =	swait.ge [sflag:s24], $0x1400  }
0x9c: {  	[sflag:s24] =	ssyncset.done $0x0  }
0x9d: {  	[sflag:s24] =	ssyncadd.s32 $0xFFFFEC00  }
0x9e: {  	s28 =	simm.s32 $0x1C00;
	_ =	swait.ge [sflag:s24], $0x1400  }
0x9f: {  	s30 =	simm.s32 $0x3800;
	s26 =	sadd.s32 $0x2300, s6;
	[sflag:s24] =	ssyncset.done $0x0  }
.LBB2_2:
0xa0: {  	s31 =	sshra.s32 s28, $0x2  }
0xa1: {  	[sflag:s24] =	ssyncadd.s32 $0xFFFFEC00;
	s28 =	smov.u32 s30;
	s29 =	sadd.s32 $0x1C00, s30  }
0xa2: {  	[tilespmem:s9], [sflag:$0x1] =	stream.indirect.gather [hbm4b:s3+s8], $0x28, s31, s8, $0xb8;
	[tilespmem:$0x17A00] =	vst v63  }
0xa3: {  	p0 =	sne.s32 s30, $0x16C00;
	s30 =	sadd.s32 $0x80, s31  }
0xa4: {  	[tilespmem:s10], [sflag:$0x1] =	stream.indirect.gather [hbm4b:s3+s8], $0x28, s30, s8, $0xb8;
	[tilespmem:$0x17A00] =	vst v63  }
0xa5: {  	s30 =	sadd.s32 $0x100, s31  }
0xa6: {  	[tilespmem:s11], [sflag:$0x1] =	stream.indirect.gather [hbm4b:s3+s8], $0x28, s30, s8, $0xb8;
	[tilespmem:$0x17A00] =	vst v63  }
0xa7: {  	s30 =	sadd.s32 $0x180, s31  }
0xa8: {  	[tilespmem:s12], [sflag:$0x1] =	stream.indirect.gather [hbm4b:s3+s8], $0x28, s30, s8, $0xb8;
	[tilespmem:$0x17A00] =	vst v63  }
0xa9: {  	s30 =	sadd.s32 $0x200, s31  }
0xaa: {  	[tilespmem:s13], [sflag:$0x1] =	stream.indirect.gather [hbm4b:s3+s8], $0x28, s30, s8, $0xb8;
	[tilespmem:$0x17A00] =	vst v63  }
0xab: {  	s30 =	sadd.s32 $0x280, s31  }
0xac: {  	[tilespmem:s14], [sflag:$0x1] =	stream.indirect.gather [hbm4b:s3+s8], $0x28, s30, s8, $0xb8;
	[tilespmem:$0x17A00] =	vst v63  }
0xad: {  	s30 =	sadd.s32 $0x300, s31  }
0xae: {  	[tilespmem:s15], [sflag:$0x1] =	stream.indirect.gather [hbm4b:s3+s8], $0x28, s30, s8, $0xb8;
	[tilespmem:$0x17A00] =	vst v63  }
0xaf: {  	s30 =	sadd.s32 $0x380, s31  }
0xb0: {  	[tilespmem:s16], [sflag:$0x1] =	stream.indirect.gather [hbm4b:s3+s8], $0x28, s30, s8, $0xb8;
	[tilespmem:$0x17A00] =	vst v63  }
0xb1: {  	s30 =	sadd.s32 $0x400, s31  }
0xb2: {  	[tilespmem:s17], [sflag:$0x1] =	stream.indirect.gather [hbm4b:s3+s8], $0x28, s30, s8, $0xb8;
	[tilespmem:$0x17A00] =	vst v63  }
0xb3: {  	s30 =	sadd.s32 $0x480, s31  }
0xb4: {  	[tilespmem:s18], [sflag:$0x1] =	stream.indirect.gather [hbm4b:s3+s8], $0x28, s30, s8, $0xb8;
	[tilespmem:$0x17A00] =	vst v63  }
0xb5: {  	s30 =	sadd.s32 $0x500, s31  }
0xb6: {  	[tilespmem:s19], [sflag:$0x1] =	stream.indirect.gather [hbm4b:s3+s8], $0x28, s30, s8, $0xb8;
	[tilespmem:$0x17A00] =	vst v63  }
0xb7: {  	s30 =	sadd.s32 $0x580, s31  }
0xb8: {  	[tilespmem:s20], [sflag:$0x1] =	stream.indirect.gather [hbm4b:s3+s8], $0x28, s30, s8, $0xb8;
	[tilespmem:$0x17A00] =	vst v63  }
0xb9: {  	s30 =	sadd.s32 $0x600, s31  }
0xba: {  	[tilespmem:s21], [sflag:$0x1] =	stream.indirect.gather [hbm4b:s3+s8], $0x28, s30, s8, $0xb8;
	[tilespmem:$0x17A00] =	vst v63  }
0xbb: {  	s30 =	sadd.s32 $0x680, s31  }
0xbc: {  	[tilespmem:s22], [sflag:$0x1] =	stream.indirect.gather [hbm4b:s3+s8], $0x28, s30, s8, $0xb8;
	[tilespmem:$0x17A00] =	vst v63  }
0xbd: {  	_ =	swait.ge [sflag:s23], $0x1400  }
0xbe: {  	[sflag:s23] =	ssyncset.done $0x0  }
0xbf: {  	[sflag:s23] =	ssyncadd.s32 $0xFFFFEC00  }
0xc0: {  	_ =	swait.ge [sflag:s23], $0x1400  }
0xc1: {  	[sflag:s23] =	ssyncset.done $0x0  }
0xc2: {  	[sflag:s23] =	ssyncadd.s32 $0xFFFFEC00  }
0xc3: {  	_ =	swait.ge [sflag:s23], $0x1400  }
0xc4: {  	[sflag:s23] =	ssyncset.done $0x0  }
0xc5: {  	[sflag:s23] =	ssyncadd.s32 $0xFFFFEC00  }
0xc6: {  	_ =	swait.ge [sflag:s23], $0x1400  }
0xc7: {  	[sflag:s23] =	ssyncset.done $0x0  }
0xc8: {  	[sflag:s23] =	ssyncadd.s32 $0xFFFFEC00  }
0xc9: {  	_ =	swait.ge [sflag:s23], $0x1400  }
0xca: {  	[sflag:s23] =	ssyncset.done $0x0  }
0xcb: {  	[sflag:s23] =	ssyncadd.s32 $0xFFFFEC00  }
0xcc: {  	_ =	swait.ge [sflag:s23], $0x1400  }
0xcd: {  	[sflag:s23] =	ssyncset.done $0x0  }
0xce: {  	[sflag:s23] =	ssyncadd.s32 $0xFFFFEC00  }
0xcf: {  	_ =	swait.ge [sflag:s23], $0x1400  }
0xd0: {  	[sflag:s23] =	ssyncset.done $0x0  }
0xd1: {  	[sflag:s23] =	ssyncadd.s32 $0xFFFFEC00  }
0xd2: {  	_ =	swait.ge [sflag:s23], $0x1400  }
0xd3: {  	[sflag:s23] =	ssyncset.done $0x0  }
0xd4: {  	[sflag:s23] =	ssyncadd.s32 $0xFFFFEC00  }
0xd5: {  	_ =	swait.ge [sflag:s23], $0x1400  }
0xd6: {  	[sflag:s23] =	ssyncset.done $0x0  }
0xd7: {  	[sflag:s23] =	ssyncadd.s32 $0xFFFFEC00  }
0xd8: {  	_ =	swait.ge [sflag:s23], $0x1400  }
0xd9: {  	[sflag:s23] =	ssyncset.done $0x0  }
0xda: {  	[sflag:s23] =	ssyncadd.s32 $0xFFFFEC00  }
0xdb: {  	_ =	swait.ge [sflag:s23], $0x1400  }
0xdc: {  	[sflag:s23] =	ssyncset.done $0x0  }
0xdd: {  	[sflag:s23] =	ssyncadd.s32 $0xFFFFEC00  }
0xde: {  	_ =	swait.ge [sflag:s23], $0x1400  }
0xdf: {  	[sflag:s23] =	ssyncset.done $0x0  }
0xe0: {  	[sflag:s23] =	ssyncadd.s32 $0xFFFFEC00  }
0xe1: {  	_ =	swait.ge [sflag:s23], $0x1400  }
0xe2: {  	[sflag:s23] =	ssyncset.done $0x0  }
0xe3: {  	[sflag:s23] =	ssyncadd.s32 $0xFFFFEC00  }
0xe4: {  	_ =	swait.ge [sflag:s23], $0x1400  }
0xe5: {  	[sflag:s23] =	ssyncset.done $0x0  }
0xe6: {  	[sflag:s23] =	ssyncadd.s32 $0xFFFFEC00  }
0xe7: {  	[hbm4b:s26+s2] =	stream.linear.scatter [tilespmem:s9], [sflag:$0x2], $0x1400, $0x38;
	[tilespmem:$0x17A00] =	vst v63  }
0xe8: {  	s30 =	sadd.s32 $0x280, s26  }
0xe9: {  	[hbm4b:s30+s2] =	stream.linear.scatter [tilespmem:s10], [sflag:$0x2], $0x1400, $0x38;
	[tilespmem:$0x17A00] =	vst v63  }
0xea: {  	s30 =	sadd.s32 $0x500, s26  }
0xeb: {  	[hbm4b:s30+s2] =	stream.linear.scatter [tilespmem:s11], [sflag:$0x2], $0x1400, $0x38;
	[tilespmem:$0x17A00] =	vst v63  }
0xec: {  	s30 =	sadd.s32 $0x780, s26  }
0xed: {  	[hbm4b:s30+s2] =	stream.linear.scatter [tilespmem:s12], [sflag:$0x2], $0x1400, $0x38;
	[tilespmem:$0x17A00] =	vst v63  }
0xee: {  	s30 =	sadd.s32 $0xA00, s26  }
0xef: {  	[hbm4b:s30+s2] =	stream.linear.scatter [tilespmem:s13], [sflag:$0x2], $0x1400, $0x38;
	[tilespmem:$0x17A00] =	vst v63  }
0xf0: {  	s30 =	sadd.s32 $0xC80, s26  }
0xf1: {  	[hbm4b:s30+s2] =	stream.linear.scatter [tilespmem:s14], [sflag:$0x2], $0x1400, $0x38;
	[tilespmem:$0x17A00] =	vst v63  }
0xf2: {  	s30 =	sadd.s32 $0xF00, s26  }
0xf3: {  	[hbm4b:s30+s2] =	stream.linear.scatter [tilespmem:s15], [sflag:$0x2], $0x1400, $0x38;
	[tilespmem:$0x17A00] =	vst v63  }
0xf4: {  	s30 =	sadd.s32 $0x1180, s26  }
0xf5: {  	[hbm4b:s30+s2] =	stream.linear.scatter [tilespmem:s16], [sflag:$0x2], $0x1400, $0x38;
	[tilespmem:$0x17A00] =	vst v63  }
0xf6: {  	s30 =	sadd.s32 $0x1400, s26  }
0xf7: {  	[hbm4b:s30+s2] =	stream.linear.scatter [tilespmem:s17], [sflag:$0x2], $0x1400, $0x38;
	[tilespmem:$0x17A00] =	vst v63  }
0xf8: {  	s30 =	sadd.s32 $0x1680, s26  }
0xf9: {  	[hbm4b:s30+s2] =	stream.linear.scatter [tilespmem:s18], [sflag:$0x2], $0x1400, $0x38;
	[tilespmem:$0x17A00] =	vst v63  }
0xfa: {  	s30 =	sadd.s32 $0x1900, s26  }
0xfb: {  	[hbm4b:s30+s2] =	stream.linear.scatter [tilespmem:s19], [sflag:$0x2], $0x1400, $0x38;
	[tilespmem:$0x17A00] =	vst v63  }
0xfc: {  	s30 =	sadd.s32 $0x1B80, s26  }
0xfd: {  	[hbm4b:s30+s2] =	stream.linear.scatter [tilespmem:s20], [sflag:$0x2], $0x1400, $0x38;
	[tilespmem:$0x17A00] =	vst v63  }
0xfe: {  	s30 =	sadd.s32 $0x1E00, s26  }
0xff: {  	[hbm4b:s30+s2] =	stream.linear.scatter [tilespmem:s21], [sflag:$0x2], $0x1400, $0x38;
	[tilespmem:$0x17A00] =	vst v63  }
0x100: {  	s30 =	sadd.s32 $0x2080, s26  }
0x101: {  	[hbm4b:s30+s2] =	stream.linear.scatter [tilespmem:s22], [sflag:$0x2], $0x1400, $0x38;
	[tilespmem:$0x17A00] =	vst v63  }
0x102: {  	_ =	swait.ge [sflag:s24], $0x1400  }
0x103: {  	[sflag:s24] =	ssyncset.done $0x0  }
0x104: {  	[sflag:s24] =	ssyncadd.s32 $0xFFFFEC00  }
0x105: {  	_ =	swait.ge [sflag:s24], $0x1400  }
0x106: {  	[sflag:s24] =	ssyncset.done $0x0  }
0x107: {  	[sflag:s24] =	ssyncadd.s32 $0xFFFFEC00  }
0x108: {  	_ =	swait.ge [sflag:s24], $0x1400  }
0x109: {  	[sflag:s24] =	ssyncset.done $0x0  }
0x10a: {  	[sflag:s24] =	ssyncadd.s32 $0xFFFFEC00  }
0x10b: {  	_ =	swait.ge [sflag:s24], $0x1400  }
0x10c: {  	[sflag:s24] =	ssyncset.done $0x0  }
0x10d: {  	[sflag:s24] =	ssyncadd.s32 $0xFFFFEC00  }
0x10e: {  	_ =	swait.ge [sflag:s24], $0x1400  }
0x10f: {  	[sflag:s24] =	ssyncset.done $0x0  }
0x110: {  	[sflag:s24] =	ssyncadd.s32 $0xFFFFEC00  }
0x111: {  	_ =	swait.ge [sflag:s24], $0x1400  }
0x112: {  	[sflag:s24] =	ssyncset.done $0x0  }
0x113: {  	[sflag:s24] =	ssyncadd.s32 $0xFFFFEC00  }
0x114: {  	_ =	swait.ge [sflag:s24], $0x1400  }
0x115: {  	[sflag:s24] =	ssyncset.done $0x0  }
0x116: {  	[sflag:s24] =	ssyncadd.s32 $0xFFFFEC00  }
0x117: {  	_ =	swait.ge [sflag:s24], $0x1400  }
0x118: {  	[sflag:s24] =	ssyncset.done $0x0  }
0x119: {  	[sflag:s24] =	ssyncadd.s32 $0xFFFFEC00  }
0x11a: {  	_ =	swait.ge [sflag:s24], $0x1400  }
0x11b: {  	[sflag:s24] =	ssyncset.done $0x0  }
0x11c: {  	[sflag:s24] =	ssyncadd.s32 $0xFFFFEC00  }
0x11d: {  	_ =	swait.ge [sflag:s24], $0x1400  }
0x11e: {  	[sflag:s24] =	ssyncset.done $0x0  }
0x11f: {  	[sflag:s24] =	ssyncadd.s32 $0xFFFFEC00  }
0x120: {  	_ =	swait.ge [sflag:s24], $0x1400  }
0x121: {  	[sflag:s24] =	ssyncset.done $0x0  }
0x122: {  	[sflag:s24] =	ssyncadd.s32 $0xFFFFEC00  }
0x123: {  	_ =	swait.ge [sflag:s24], $0x1400  }
0x124: {  	[sflag:s24] =	ssyncset.done $0x0  }
0x125: {  	[sflag:s24] =	ssyncadd.s32 $0xFFFFEC00  }
.Ltmp0:
0x126: {  	_ =	swait.ge [sflag:s24], $0x1400;
	(pc) =	sbr.rel @p0 .LBB2_2-.Ltmp0, $4  }
0x127: {  	[sflag:s24] =	ssyncset.done $0x0  }
0x128: {  	[sflag:s24] =	ssyncadd.s32 $0xFFFFEC00  }
0x129: {  	_ =	swait.ge [sflag:s24], $0x1400  }
0x12a: {  	s26 =	sadd.s32 $0x2300, s26;
	s30 =	smov.u32 s29;
	[sflag:s24] =	ssyncset.done $0x0  }
0x12b: {  	s28 =	sshra.s32 s28, $0x2;
	[sflag:s24] =	ssyncadd.s32 $0xFFFFEC00  }
0x12c: {  	[tilespmem:s9], [sflag:$0x1] =	stream.indirect.gather [hbm4b:s3+s8], $0x28, s28, s8, $0xb8;
	[tilespmem:$0x17A00] =	vst v63  }
0x12d: {  	s29 =	sadd.s32 $0x80, s28  }
0x12e: {  	[tilespmem:s10], [sflag:$0x1] =	stream.indirect.gather [hbm4b:s3+s8], $0x28, s29, s8, $0xb8;
	[tilespmem:$0x17A00] =	vst v63  }
0x12f: {  	s30 =	sadd.s32 $0x100, s28  }
0x130: {  	[tilespmem:s11], [sflag:$0x1] =	stream.indirect.gather [hbm4b:s3+s8], $0x28, s30, s8, $0xb8;
	[tilespmem:$0x17A00] =	vst v63  }
0x131: {  	s31 =	sadd.s32 $0x180, s28  }
0x132: {  	[tilespmem:s12], [sflag:$0x1] =	stream.indirect.gather [hbm4b:s3+s8], $0x28, s31, s8, $0xb8;
	[tilespmem:$0x17A00] =	vst v63  }
0x133: {  	s30 =	sadd.s32 $0x200, s28  }
0x134: {  	[tilespmem:s13], [sflag:$0x1] =	stream.indirect.gather [hbm4b:s3+s8], $0x28, s30, s8, $0xb8;
	[tilespmem:$0x17A00] =	vst v63  }
0x135: {  	s31 =	sadd.s32 $0x280, s28  }
0x136: {  	[tilespmem:s14], [sflag:$0x1] =	stream.indirect.gather [hbm4b:s3+s8], $0x28, s31, s8, $0xb8;
	[tilespmem:$0x17A00] =	vst v63  }
0x137: {  	s30 =	sadd.s32 $0x300, s28  }
0x138: {  	[tilespmem:s15], [sflag:$0x1] =	stream.indirect.gather [hbm4b:s3+s8], $0x28, s30, s8, $0xb8;
	[tilespmem:$0x17A00] =	vst v63  }
0x139: {  	s31 =	sadd.s32 $0x380, s28  }
0x13a: {  	[tilespmem:s16], [sflag:$0x1] =	stream.indirect.gather [hbm4b:s3+s8], $0x28, s31, s8, $0xb8;
	[tilespmem:$0x17A00] =	vst v63  }
0x13b: {  	s30 =	sadd.s32 $0x400, s28  }
0x13c: {  	[tilespmem:s17], [sflag:$0x1] =	stream.indirect.gather [hbm4b:s3+s8], $0x28, s30, s8, $0xb8;
	[tilespmem:$0x17A00] =	vst v63  }
0x13d: {  	s31 =	sadd.s32 $0x480, s28  }
0x13e: {  	[tilespmem:s18], [sflag:$0x1] =	stream.indirect.gather [hbm4b:s3+s8], $0x28, s31, s8, $0xb8;
	[tilespmem:$0x17A00] =	vst v63  }
0x13f: {  	s30 =	sadd.s32 $0x500, s28  }
0x140: {  	[tilespmem:s19], [sflag:$0x1] =	stream.indirect.gather [hbm4b:s3+s8], $0x28, s30, s8, $0xb8;
	[tilespmem:$0x17A00] =	vst v63  }
0x141: {  	s31 =	sadd.s32 $0x580, s28  }
0x142: {  	[tilespmem:s20], [sflag:$0x1] =	stream.indirect.gather [hbm4b:s3+s8], $0x28, s31, s8, $0xb8;
	[tilespmem:$0x17A00] =	vst v63  }
0x143: {  	s30 =	sadd.s32 $0x600, s28  }
0x144: {  	[tilespmem:s21], [sflag:$0x1] =	stream.indirect.gather [hbm4b:s3+s8], $0x28, s30, s8, $0xb8;
	[tilespmem:$0x17A00] =	vst v63  }
0x145: {  	s28 =	sadd.s32 $0x680, s28  }
0x146: {  	[tilespmem:s22], [sflag:$0x1] =	stream.indirect.gather [hbm4b:s3+s8], $0x28, s28, s8, $0xb8;
	[tilespmem:$0x17A00] =	vst v63  }
0x147: {  	_ =	swait.ge [sflag:s23], $0x1400  }
0x148: {  	[sflag:s23] =	ssyncset.done $0x0  }
0x149: {  	[sflag:s23] =	ssyncadd.s32 $0xFFFFEC00  }
0x14a: {  	_ =	swait.ge [sflag:s23], $0x1400  }
0x14b: {  	[sflag:s23] =	ssyncset.done $0x0  }
0x14c: {  	[sflag:s23] =	ssyncadd.s32 $0xFFFFEC00  }
0x14d: {  	_ =	swait.ge [sflag:s23], $0x1400  }
0x14e: {  	[sflag:s23] =	ssyncset.done $0x0  }
0x14f: {  	[sflag:s23] =	ssyncadd.s32 $0xFFFFEC00  }
0x150: {  	_ =	swait.ge [sflag:s23], $0x1400  }
0x151: {  	[sflag:s23] =	ssyncset.done $0x0  }
0x152: {  	[sflag:s23] =	ssyncadd.s32 $0xFFFFEC00  }
0x153: {  	_ =	swait.ge [sflag:s23], $0x1400  }
0x154: {  	[sflag:s23] =	ssyncset.done $0x0  }
0x155: {  	[sflag:s23] =	ssyncadd.s32 $0xFFFFEC00  }
0x156: {  	_ =	swait.ge [sflag:s23], $0x1400  }
0x157: {  	[sflag:s23] =	ssyncset.done $0x0  }
0x158: {  	[sflag:s23] =	ssyncadd.s32 $0xFFFFEC00  }
0x159: {  	_ =	swait.ge [sflag:s23], $0x1400  }
0x15a: {  	[sflag:s23] =	ssyncset.done $0x0  }
0x15b: {  	[sflag:s23] =	ssyncadd.s32 $0xFFFFEC00  }
0x15c: {  	_ =	swait.ge [sflag:s23], $0x1400  }
0x15d: {  	[sflag:s23] =	ssyncset.done $0x0  }
0x15e: {  	[sflag:s23] =	ssyncadd.s32 $0xFFFFEC00  }
0x15f: {  	_ =	swait.ge [sflag:s23], $0x1400  }
0x160: {  	[sflag:s23] =	ssyncset.done $0x0  }
0x161: {  	[sflag:s23] =	ssyncadd.s32 $0xFFFFEC00  }
0x162: {  	_ =	swait.ge [sflag:s23], $0x1400  }
0x163: {  	[sflag:s23] =	ssyncset.done $0x0  }
0x164: {  	[sflag:s23] =	ssyncadd.s32 $0xFFFFEC00  }
0x165: {  	_ =	swait.ge [sflag:s23], $0x1400  }
0x166: {  	[sflag:s23] =	ssyncset.done $0x0  }
0x167: {  	[sflag:s23] =	ssyncadd.s32 $0xFFFFEC00  }
0x168: {  	_ =	swait.ge [sflag:s23], $0x1400  }
0x169: {  	[sflag:s23] =	ssyncset.done $0x0  }
0x16a: {  	[sflag:s23] =	ssyncadd.s32 $0xFFFFEC00  }
0x16b: {  	_ =	swait.ge [sflag:s23], $0x1400  }
0x16c: {  	[sflag:s23] =	ssyncset.done $0x0  }
0x16d: {  	[sflag:s23] =	ssyncadd.s32 $0xFFFFEC00  }
0x16e: {  	_ =	swait.ge [sflag:s23], $0x1400  }
0x16f: {  	[sflag:s23] =	ssyncset.done $0x0  }
0x170: {  	[sflag:s23] =	ssyncadd.s32 $0xFFFFEC00  }
0x171: {  	[hbm4b:s26+s2] =	stream.linear.scatter [tilespmem:s9], [sflag:$0x2], $0x1400, $0x38;
	[tilespmem:$0x17A00] =	vst v63  }
0x172: {  	s31 =	sadd.s32 $0x280, s26  }
0x173: {  	[hbm4b:s31+s2] =	stream.linear.scatter [tilespmem:s10], [sflag:$0x2], $0x1400, $0x38;
	[tilespmem:$0x17A00] =	vst v63  }
0x174: {  	s29 =	sadd.s32 $0x500, s26  }
0x175: {  	[hbm4b:s29+s2] =	stream.linear.scatter [tilespmem:s11], [sflag:$0x2], $0x1400, $0x38;
	[tilespmem:$0x17A00] =	vst v63  }
0x176: {  	s30 =	sadd.s32 $0x780, s26  }
0x177: {  	[hbm4b:s30+s2] =	stream.linear.scatter [tilespmem:s12], [sflag:$0x2], $0x1400, $0x38;
	[tilespmem:$0x17A00] =	vst v63  }
0x178: {  	s31 =	sadd.s32 $0xA00, s26  }
0x179: {  	[hbm4b:s31+s2] =	stream.linear.scatter [tilespmem:s13], [sflag:$0x2], $0x1400, $0x38;
	[tilespmem:$0x17A00] =	vst v63  }
0x17a: {  	s29 =	sadd.s32 $0xC80, s26  }
0x17b: {  	[hbm4b:s29+s2] =	stream.linear.scatter [tilespmem:s14], [sflag:$0x2], $0x1400, $0x38;
	[tilespmem:$0x17A00] =	vst v63  }
0x17c: {  	s30 =	sadd.s32 $0xF00, s26  }
0x17d: {  	[hbm4b:s30+s2] =	stream.linear.scatter [tilespmem:s15], [sflag:$0x2], $0x1400, $0x38;
	[tilespmem:$0x17A00] =	vst v63  }
0x17e: {  	s31 =	sadd.s32 $0x1180, s26  }
0x17f: {  	[hbm4b:s31+s2] =	stream.linear.scatter [tilespmem:s16], [sflag:$0x2], $0x1400, $0x38;
	[tilespmem:$0x17A00] =	vst v63  }
0x180: {  	s29 =	sadd.s32 $0x1400, s26  }
0x181: {  	[hbm4b:s29+s2] =	stream.linear.scatter [tilespmem:s17], [sflag:$0x2], $0x1400, $0x38;
	[tilespmem:$0x17A00] =	vst v63  }
0x182: {  	s30 =	sadd.s32 $0x1680, s26  }
0x183: {  	[hbm4b:s30+s2] =	stream.linear.scatter [tilespmem:s18], [sflag:$0x2], $0x1400, $0x38;
	[tilespmem:$0x17A00] =	vst v63  }
0x184: {  	s31 =	sadd.s32 $0x1900, s26  }
0x185: {  	[hbm4b:s31+s2] =	stream.linear.scatter [tilespmem:s19], [sflag:$0x2], $0x1400, $0x38;
	[tilespmem:$0x17A00] =	vst v63  }
0x186: {  	s29 =	sadd.s32 $0x1B80, s26  }
0x187: {  	[hbm4b:s29+s2] =	stream.linear.scatter [tilespmem:s20], [sflag:$0x2], $0x1400, $0x38;
	[tilespmem:$0x17A00] =	vst v63  }
0x188: {  	s30 =	sadd.s32 $0x1E00, s26  }
0x189: {  	[hbm4b:s30+s2] =	stream.linear.scatter [tilespmem:s21], [sflag:$0x2], $0x1400, $0x38;
	[tilespmem:$0x17A00] =	vst v63  }
0x18a: {  	s31 =	sadd.s32 $0x2080, s26  }
0x18b: {  	[hbm4b:s31+s2] =	stream.linear.scatter [tilespmem:s22], [sflag:$0x2], $0x1400, $0x38;
	[tilespmem:$0x17A00] =	vst v63  }
0x18c: {  	_ =	swait.ge [sflag:s24], $0x1400  }
0x18d: {  	[sflag:s24] =	ssyncset.done $0x0  }
0x18e: {  	[sflag:s24] =	ssyncadd.s32 $0xFFFFEC00  }
0x18f: {  	_ =	swait.ge [sflag:s24], $0x1400  }
0x190: {  	[sflag:s24] =	ssyncset.done $0x0  }
0x191: {  	[sflag:s24] =	ssyncadd.s32 $0xFFFFEC00  }
0x192: {  	_ =	swait.ge [sflag:s24], $0x1400  }
0x193: {  	[sflag:s24] =	ssyncset.done $0x0  }
0x194: {  	[sflag:s24] =	ssyncadd.s32 $0xFFFFEC00  }
0x195: {  	_ =	swait.ge [sflag:s24], $0x1400  }
0x196: {  	[sflag:s24] =	ssyncset.done $0x0  }
0x197: {  	[sflag:s24] =	ssyncadd.s32 $0xFFFFEC00  }
0x198: {  	_ =	swait.ge [sflag:s24], $0x1400  }
0x199: {  	[sflag:s24] =	ssyncset.done $0x0  }
0x19a: {  	[sflag:s24] =	ssyncadd.s32 $0xFFFFEC00  }
0x19b: {  	_ =	swait.ge [sflag:s24], $0x1400  }
0x19c: {  	[sflag:s24] =	ssyncset.done $0x0  }
0x19d: {  	[sflag:s24] =	ssyncadd.s32 $0xFFFFEC00  }
0x19e: {  	_ =	swait.ge [sflag:s24], $0x1400  }
0x19f: {  	[sflag:s24] =	ssyncset.done $0x0  }
0x1a0: {  	[sflag:s24] =	ssyncadd.s32 $0xFFFFEC00  }
0x1a1: {  	_ =	swait.ge [sflag:s24], $0x1400  }
0x1a2: {  	[sflag:s24] =	ssyncset.done $0x0  }
0x1a3: {  	[sflag:s24] =	ssyncadd.s32 $0xFFFFEC00  }
0x1a4: {  	_ =	swait.ge [sflag:s24], $0x1400  }
0x1a5: {  	[sflag:s24] =	ssyncset.done $0x0  }
0x1a6: {  	[sflag:s24] =	ssyncadd.s32 $0xFFFFEC00  }
0x1a7: {  	_ =	swait.ge [sflag:s24], $0x1400  }
0x1a8: {  	[sflag:s24] =	ssyncset.done $0x0  }
0x1a9: {  	[sflag:s24] =	ssyncadd.s32 $0xFFFFEC00  }
0x1aa: {  	_ =	swait.ge [sflag:s24], $0x1400  }
0x1ab: {  	[sflag:s24] =	ssyncset.done $0x0  }
0x1ac: {  	[sflag:s24] =	ssyncadd.s32 $0xFFFFEC00  }
0x1ad: {  	_ =	swait.ge [sflag:s24], $0x1400  }
0x1ae: {  	[sflag:s24] =	ssyncset.done $0x0  }
0x1af: {  	s25 =	sadd.s32 $0x1, s25;
	[sflag:s24] =	ssyncadd.s32 $0xFFFFEC00  }
0x1b0: {  	p0 =	sne.s32 s25, s5;
	_ =	swait.ge [sflag:s24], $0x1400  }
.Ltmp1:
0x1b1: {  	[sflag:s24] =	ssyncset.done $0x0;
	(pc) =	sbr.rel @p0 .LBB2_1-.Ltmp1, $4  }
0x1b2: {  	[sflag:s24] =	ssyncadd.s32 $0xFFFFEC00  }
0x1b3: {  	_ =	swait.ge [sflag:s24], $0x1400  }
0x1b4: {  	[sflag:s24] =	ssyncset.done $0x0  }
0x1b5: {  	[sflag:s24] =	ssyncadd.s32 $0xFFFFEC00  }
0x1b6: {  	_ =	sfence.sel $0x180000  }
0x1b7: {  	[bflag:$0x0] =	sbarrier.arrive $0xFFFF  }
0x1b8: {  	p0 =	sne.s32 s1, $0x0;
	_ =	strace $0x90000047  }
0x1b9: {  	s0 =	sadd.s32 @!p0 $0x100000, s0;
	[bflag:$0x2] =	sbarrier.arrive $0xFFFF  }
0x1ba: {  	[sflag:s0] =	ssyncadd.tile.s32 @!p0 $0x1;
	_ =	shalt  }
.Lfunc_end2:
_tile_overlayer_lowered:
.L_overlay_start_2:
0x1bb: {  	(tag) =	ssettag $0x2  }
0x1bc: {  	s0 =	rddreg [dreg:$0x0];
	s2 =	stileid.u32  }
0x1bd: {  	s1 =	rddreg [dreg:$0x1];
	p0 =	sne.s32 s2, $0x0  }
0x1be: {  	s3 =	rddreg [dreg:$0x2];
	[bflag:$0x3] =	sbarrier.arrive $0xFFFF;
	s2 =	simm.s32 @!p0 $0x1C03  }
0x1bf: {  	[timem:s3], [sflag:s2] =	dma.local @!p0 [hbm:s0], s1  }
0x1c0: {  	s0 =	simm.s32 @!p0 $0x3  }
0x1c1: {  	_ =	swait.ge @!p0 [sflag:s0], s1  }
0x1c2: {  	s1 =	ssub.s32 @!p0 $0x0, s1;
	[sflag:s0] =	ssyncset.done @!p0 $0x0  }
0x1c3: {  	[sflag:s0] =	ssyncadd.s32 @!p0 s1  }
0x1c4: {  	[bflag:$0x3] =	sbarrier.arrive $0xFFFF  }
0x1c5: {  	_ =	shalt  }

// kernel: sparse-core-data-format-call.cloned.1.call-start
scs
called_computation_lowered:
.L_overlay_start_0:
0x0: {  	s2 =	sld [smem:$0x3FD9]  }
0x1: {  	s3 =	sld [smem:$0x3FFE];
	_ =	sdelay $0x1  }
0x2: {  	s1 =	srdreg.scid  }
0x3: {  	s0 =	sand.u32 $0x1, s1  }
0x4: {  	s18 =	sshll.u32 s0, $0xA;
	s2 =	sadd.s32 s3, s2  }
0x5: {  	s2 =	sadd.s32 s2, s18  }
0x6: {  	[smem:$0x3FC6] =	sst s2  }
0x7: {  	_ = 	snop  }
0x8: {  	s2 =	sld [smem:$0x3FD0];
	(tm) =	ssettm $0x1  }
0x9: {  	s19 =	sld [smem:$0x3FFB];
	_ =	sdelay $0x3  }
0xa: {  	_ =	strace s19  }
0xb: {  	s3 =	sld [smem:$0x3FFC];
	_ =	sdelay $0x3  }
0xc: {  	_ =	strace s3  }
0xd: {  	s3 =	sld [smem:$0x3FFD];
	_ =	sdelay $0x3  }
0xe: {  	_ =	strace s3  }
0xf: {  	_ =	strace $0x8FFFFFFF  }
0x10: {  	s20 =	sld [smem:$0x3FDB];
	_ =	sdelay $0x1  }
0x11: {  	s4 =	simm.s32 $_scs_section_size  }
0x12: {  	s5 =	simm.s32 $_size__tile_overlayer_lowered;
	s6 =	simm.s32 $_tile_overlayer_lowered  }
0x13: {  	s23 =	simm.s32 $0x1BFF;
	s22 =	sshll.u32 s6, $0x1;
	s3 =	sadd.s32 s4, s20  }
0x14: {  	s7 =	simm.s32 $0x0;
	s21 =	sshll.u32 s5, $0x1;
	s5 =	sadd.s32 s22, s3  }
0x15: {  	[timem:s7], [sflag:s23] =	dma.local [hbm:s5], s21  }
0x16: {  	_ =	swait.ge [sflag:s23], s21  }
0x17: {  	s4 =	ssub.s32 $0x0, s21;
	[sflag:s23] =	ssyncset.done $0x0  }
0x18: {  	[sflag:s23] =	ssyncadd.s32 s4;
	_ =	sdelay $0x1  }
0x19: {  	s24 =	simm.s32 $0x1B8B  }
0x1a: {  	_ =	swait.ge [sflag:s24], $0x1  }
0x1b: {  	[sflag:s24] =	ssyncset.done $0x0  }
0x1c: {  	s26 =	simm.s32 $0x1B8E;
	s25 =	sld [smem:$0x3FFE];
	[sflag:s24] =	ssyncadd.s32 $0xFFFFFFFF  }
0x1d: {  	s27 =	simm.s32 $execute0_lowered;
	[smem:$0x3FD2] =	sst s26  }
0x1e: {  	s5 =	sshll.u32 s27, $0x1;
	_ =	strace $0x80000049;
	[dreg:$0x1] =	wrdreg $0xFFFFFFFF  }
0x1f: {  	s28 =	simm.s32 $_size_execute0_lowered;
	s3 =	sadd.s32 s3, s5;
	[dreg:$0x0] =	wrdreg $0x0  }
0x20: {  	s5 =	sshll.u32 s28, $0x1;
	[dreg:$0x2] =	wrdreg s3  }
0x21: {  	[dreg:$0x3] =	wrdreg s5  }
0x22: {  	[dreg:$0x4] =	wrdreg $0xC0  }
0x23: {  	_ =	task [dreg:s7], $0x5FFFF  }
0x24: {  	[dreg:$0x1] =	wrdreg $0xFFFFFFFF  }
0x25: {  	[dreg:$0x0] =	wrdreg $0x60  }
0x26: {  	[dreg:$0x2] =	wrdreg s25  }
0x27: {  	[dreg:$0x3] =	wrdreg s2  }
0x28: {  	[dreg:$0x4] =	wrdreg $0x9  }
0x29: {  	_ =	task.clear_ibuf [dreg:s7], $0x5FFFF;
	_ =	strace $0x90000049  }
0x2a: {  	s29 =	simm.s32 $0x9;
	_ =	strace $0x8000004B  }
0x2b: {  	_ =	swait.ge [sflag:s29], $0x1  }
0x2c: {  	[sflag:s29] =	ssyncadd.s32 $0xFFFFFFFF  }
0x2d: {  	_ =	strace $0x9000004B  }
0x2e: {  	_ =	sfence  }
0x2f: {  	s30 =	sld [smem:$0x0];
	_ =	sdelay $0x2  }
0x30: {  	s31 =	sshll.u32 s1, $0xD;
	s1 =	sshrl.u32 s1, $0x2  }
0x31: {  	s3 =	sand.u32 $0x4000, s31;
	s1 =	sadd.s32 s1, s30  }
0x32: {  	s0 =	sor.u32 s3, s0;
	s1 =	sshll.u32 s1, $0x11  }
0x33: {  	s0 =	sor.u32 s1, s0  }
0x34: {  	s0 =	sadd.s32 $0x8F2B, s0  }
0x35: {  	[sflag:s0] =	ssyncadd.remote.s32 $0x1  }
0x36: {  	_ =	sfence.sel $0xFFFF  }
0x37: {  	[dreg:$0x0] =	wrdreg $0xFFFFFFFF;
	(pc) =	sbr.abs _section_cstart, $3  }
0x38: {  	[dreg:$0x1] =	wrdreg $0xFFFFFFFF  }
0x39: {  	_ =	task.clear_ibuf [dreg:s7], $0x2FFFF;
	_ =	strace $0x9FFFFFFF  }
0x3a: {  	(tm) =	ssettm $0x7FFFFFFF  }
0x3b: {  	_ =	shalt  }
tec
execute0_lowered:
.L_overlay_start_1:
0x0: {  	(tag) =	ssettag $0x1  }
0x1: {  	s0 =	srdreg.scid  }
0x2: {  	s5 =	rddreg [dreg:$0x0];
	s1 =	sshll.u32 s0, $0x4  }
0x3: {  	s2 =	rddreg [dreg:$0x1];
	s0 =	stileid.u32;
	s1 =	sand.u32 $0x10, s1  }
0x4: {  	s4 =	simm.s32 $0x1;
	s8 =	simm.s32 $0x2;
	s1 =	sor.u32 s0, s1  }
0x5: {  	s12 =	simm.s32 $0x0;
	s9 =	simm.s32 $0x0;
	s3 =	sshll.u32 s1, $0x7  }
0x6: {  	s11 =	simm.s32 $0x0;
	s5 =	sadd.s32 $0x800, s5;
	s6 =	ssub.s32 $0xC3500, s3  }
.Ltmp0:
0x7: {  	s1 =	rddreg [dreg:$0x2];
	s7 =	sand.u32 $0xF80, s6;
	(pc) =	sbr.rel .LBB1_1-.Ltmp0, $4  }
0x8: {  	_ =	strace $0x8000004A;
	p0 =	sne.s32 s7, $0x0;
	s7 =	simm.s32 $0x1  }
0x9: {  	[sflag:s4] =	ssyncpa.u1 $0x0;
	s6 =	sshrl.u32 s6, $0xC;
	s7 =	simm.s32 @!p0 $0x0  }
0xa: {  	s10 =	smov.u32 s3;
	[sflag:s8] =	ssyncpa.u1 $0x0;
	s6 =	sadd.s32 s7, s6  }
0xb: {  	s8 =	simm.s32 $0x61A800;
	p0 =	por $0x0, $0x0;
	s7 =	sadd.s32 $0x1, s6  }
.LBB1_4:
0xc: {  	s15 =	sshll.u32 s9, $0x3  }
0xd: {  	s15 =	sand.u32 $0xFFFFFC00, s15  }
0xe: {  	s16 =	sshrl.u32 s15, $0x8  }
0xf: {  	s16 =	smulhi.u32 $0x14F8B59, s16;
	_ =	sdelay $0x1  }
0x10: {  	s16 =	sshrl.u32 s16, $0x4  }
0x11: {  	s18 =	smul.u32 $0xCCD, s16  }
0x12: {  	p1 =	sgt.s32 s9, $0xC3480;
	s19 =	smov.u32 s9;
	s20 =	sshra.s32 s9, $0x1F  }
0x13: {  	s19 =	simm.s32 @!p1 $0xC3480;
	s20 =	sand.u32 s20, s9;
	s18 =	sshrl.u32 s18, $0x11  }
0x14: {  	s17 =	sand.u32 $0x7F, s9;
	s28 =	ssub.s32 s19, s20;
	s18 =	smul.u32 $0x28, s18  }
0x15: {  	s15 =	sor.u32 s17, s15;
	s29 =	sadd.s32 $0xFFF3CB80, s28;
	s27 =	smul.u32 $0xC3500, s16  }
0x16: {  	s17 =	ssub.s32 $0xC3500, s28;
	p1 =	sgt.s32 s29, $0x7F;
	s16 =	ssub.s32 s16, s18  }
0x17: {  	s17 =	smul.u32 $0xA0, s17;
	s15 =	ssub.s32 s15, s27;
	s16 =	sand.u32 $0xFFFF, s16  }
0x18: {  	[tilespmem:s14+$0x810 ss:$0x81] =	vst.msk $0xffff, v2;
	s30 =	sshrl.u32 s15, $0x3;
	s15 =	sand.u32 $0x7, s15;
	s16 =	smul.u32 $0x186A0, s16  }
0x19: {  	[tilespmem:s14+$0x1020 ss:$0x81] =	vst.msk $0xffff, v0;
	s17 =	sshrl.u32 s17, $0x2;
	s15 =	sshll.u32 s15, $0x12;
	s18 =	sadd.s32 s2, s30  }
0x1a: {  	[tilespmem:s14+$0x0 ss:$0x81] =	vst.msk $0xffff, v1;
	s17 =	simm.s32 @p1 $0x0;
	s15 =	sor.u32 $0x400, s15;
	s31 =	sadd.s32 s16, s18  }
0x1b: {  	[hbm4b:s31+s15] =	stream.strided.scatter [tilespmem:s13], [sflag:$0x2], s17, s8, s15, $0x20;
	[tilespmem:$0x8080] =	vst v63  }
.LBB1_5:
0x1c: {  	p1 =	slt.u32 s11, $0x2  }
0x1d: {  	p2 =	sgt.s32 @!p1 s12, $0xC3480  }
0x1e: {  	s13 =	smov.u32 s12;
	s14 =	sshra.s32 @!p1 s12, $0x1F;
	p2 =	por !p2, p1  }
0x1f: {  	s12 =	sand.u32 @!p1 s14, s12;
	s13 =	simm.s32 @p2 $0xC3480  }
0x20: {  	s12 =	ssub.s32 @!p1 s13, s12  }
0x21: {  	s13 =	ssub.s32 @!p1 $0xC3500, s12  }
0x22: {  	s12 =	sadd.s32 @!p1 $0xFFF3CB80, s12;
	s13 =	smul.u32 @!p1 $0xA0, s13  }
0x23: {  	p2 =	sgt.s32 @!p1 s12, $0x7F  }
0x24: {  	s14 =	sadd.s32 $0x1000, s10;
	p2 =	por !p2, p1;
	s12 =	sshrl.u32 @!p1 s13, $0x2  }
0x25: {  	s12 =	simm.s32 @!p2 $0x0;
	p2 =	sgt.s32 s14, $0xC34FF  }
0x26: {  	s14 =	smov.u32 @p2 s3;
	p2 =	sne.s32 s11, s7  }
.Ltmp1:
0x27: {  	_ = 	snop;
	(pc) =	sbr.rel @!p2 .LBB1_6-.Ltmp1, $4  }
0x28: {  	s13 =	simm.s32 @!p1 $0x2  }
0x29: {  	p0 =	por !p0, !p0;
	_ =	swait.ge @!p1 [sflag:s13], s12;
	s15 =	ssub.s32 @!p1 $0x0, s12  }
0x2a: {  	s12 =	smov.u32 s9;
	s11 =	sadd.s32 $0x1, s11;
	[sflag:s13] =	ssyncset.done @!p1 $0x0  }
0x2b: {  	s9 =	smov.u32 s10;
	s10 =	smov.u32 s14;
	[sflag:s13] =	ssyncadd.s32 @!p1 s15  }
.LBB1_1:
0x2c: {  	p1 =	sge.u32 s11, s6  }
0x2d: {  	s13 =	sand.u32 @!p1 $0x1FFFFFF, s10  }
0x2e: {  	s14 =	smulhi.u32 @!p1 $0x14F8B59, s13;
	_ =	sdelay $0x1  }
0x2f: {  	s14 =	sshrl.u32 @!p1 s14, $0xC  }
0x30: {  	s14 =	smul.u32 @!p1 $0xC3500, s14;
	_ =	sdelay $0x1  }
0x31: {  	s31 =	sadd.s32 $0xFFFFFFFF, s11;
	s15 =	sxor.u32 @!p1 $0xFFFFFFFF, s11;
	s13 =	ssub.s32 @!p1 s13, s14  }
0x32: {  	s16 =	simm.s32 @!p1 $0x80;
	s15 =	sshll.u32 @!p1 s15, $0xD;
	s13 =	sshll.u32 @!p1 s13, $0x4  }
0x33: {  	s14 =	sand.u32 @!p1 $0x2000, s15;
	s15 =	simm.s32 @!p1 $0x40;
	s13 =	sadd.s32 @!p1 s5, s13  }
0x34: {  	[tilespmem:s14], [sflag:$0x1] =	stream.strided.gather @!p1 [hbm4b:s13+s15], $0x2000, s16, s15, $0x38;
	[tilespmem:$0x8080] =	vst v63  }
0x35: {  	p1 =	sge.u32 s31, s6  }
.Ltmp2:
0x36: {  	_ = 	snop;
	(pc) =	sbr.rel @p1 .LBB1_5-.Ltmp2, $1  }
0x37: {  	_ =	sdelay $0x3  }
0x38: {  	s13 =	simm.s32 $0x1  }
0x39: {  	_ =	swait.ge [sflag:s4], $0x2000;
	s13 =	simm.s32 @!p0 $0x0  }
0x3a: {  	[sflag:s4] =	ssyncset.done $0x0;
	s14 =	sshll.u32 s13, $0xD  }
0x3b: {  	[sflag:s4] =	ssyncadd.s32 $0xFFFFE000;
	s17 =	sor.u32 $0x20, s14  }
0x3c: {  	s13 =	smul.u32 $0x8100, s13;
	v3 =	vld [tilespmem:s17+$0x10]  }
0x3d: {  	s30 =	sand.u32 $0x1, s11;
	v2 =	vld [tilespmem:s17+$0xFFFFFFF0]  }
0x3e: {  	s14 =	smul.u32 $0x8100, s30;
	s13 =	sshrl.u32 s13, $0x2;
	v0 =	vld [tilespmem:s17+$0x0]  }
0x3f: {  	v1 =	vld [tilespmem:s17+$0xFFFFFFE0];
	s15 =	sor.u32 $0x4000, s13  }
0x40: {  	s31 =	sshrl.u32 s14, $0x2;
	s14 =	sadd.s32 $0x0, s15  }
0x41: {  	s16 =	simm.s32 $0x4;
	s17 =	sadd.s32 $0x40, s17;
	s13 =	sor.u32 $0x4000, s31;
	[tilespmem:s14+$0x1830 ss:$0x81] =	vst.msk $0xffff, v3  }
.LBB1_3:
0x42: {  	v3 =	vld [tilespmem:s17+$0x10];
	p1 =	sne.s32 s16, $0x1FC;
	[tilespmem:s14+$0x810 ss:$0x81] =	vst.msk $0xffff, v2;
	s18 =	smov.u32 s16;
	s16 =	sadd.s32 $0x4, s16  }
.Ltmp3:
0x43: {  	v2 =	vld [tilespmem:s17+$0xFFFFFFF0];
	[tilespmem:s14+$0x1020 ss:$0x81] =	vst.msk $0xffff, v0;
	(pc) =	sbr.rel @p1 .LBB1_3-.Ltmp3, $4  }
0x44: {  	v0 =	vld [tilespmem:s17+$0x0];
	[tilespmem:s14+$0x0 ss:$0x81] =	vst.msk $0xffff, v1  }
0x45: {  	s14 =	sshra.s32 s18, $0x2;
	v1 =	vld [tilespmem:s17+$0xFFFFFFE0]  }
0x46: {  	s14 =	sadd.s32 s14, s15  }
0x47: {  	s17 =	sadd.s32 $0x40, s17;
	[tilespmem:s14+$0x1830 ss:$0x81] =	vst.msk $0xffff, v3  }
.Ltmp4:
0x48: {  	_ = 	snop;
	(pc) =	sbr.rel .LBB1_4-.Ltmp4, $1  }
0x49: {  	_ =	sdelay $0x3  }
.LBB1_6:
0x4a: {  	_ =	sfence.sel $0x180000  }
0x4b: {  	s2 =	simm.s32 $0x1;
	[bflag:$0x0] =	sbarrier.arrive $0xFFFF  }
0x4c: {  	s31 =	simm.s32 $0x2;
	[sflag:s2] =	ssyncpa.u1 $0x1  }
0x4d: {  	[sflag:s31] =	ssyncpa.u1 $0x1  }
0x4e: {  	p0 =	sne.s32 s0, $0x0;
	_ =	strace $0x9000004A  }
0x4f: {  	s0 =	sadd.s32 @!p0 $0x100000, s1;
	[bflag:$0x2] =	sbarrier.arrive $0xFFFF  }
0x50: {  	[sflag:s0] =	ssyncadd.tile.s32 @!p0 $0x1;
	_ =	shalt  }
.Lfunc_end1:
_tile_overlayer_lowered:
.L_overlay_start_2:
0x51: {  	(tag) =	ssettag $0x2  }
0x52: {  	s0 =	rddreg [dreg:$0x0];
	s2 =	stileid.u32  }
0x53: {  	s1 =	rddreg [dreg:$0x1];
	p0 =	sne.s32 s2, $0x0  }
0x54: {  	s3 =	rddreg [dreg:$0x2];
	[bflag:$0x3] =	sbarrier.arrive $0xFFFF;
	s2 =	simm.s32 @!p0 $0x1C01  }
0x55: {  	[timem:s3], [sflag:s2] =	dma.local @!p0 [hbm:s0], s1  }
0x56: {  	s0 =	simm.s32 @!p0 $0x1  }
0x57: {  	_ =	swait.ge @!p0 [sflag:s0], s1  }
0x58: {  	s1 =	ssub.s32 @!p0 $0x0, s1;
	[sflag:s0] =	ssyncset.done @!p0 $0x0  }
0x59: {  	[sflag:s0] =	ssyncadd.s32 @!p0 s1  }
0x5a: {  	[bflag:$0x3] =	sbarrier.arrive $0xFFFF  }
0x5b: {  	_ =	shalt  }

</sc_bundles>
